<compile_context>
chip_gen: v7x
topology: tpu7x:2x2x1
jax: 0.10.2.dev20260603
libtpu: 0.0.44.dev20260713+nightly
codegen_flags: <defaults>
</compile_context>

<pallas_src>
import jax
import jax.numpy as jnp
from jax import lax
from jax.experimental import pallas as pl
from jax.experimental.pallas import tpu as pltpu
from jax.experimental.pallas import tpu_sc as plsc

_EPS = 1e-5

_NC = 2
_NS = 16
_NW = _NC * _NS
_CHUNK = 128

_PACK_BLK = 256


def _pack_half(v):
    return (((v + 1) // 2 + _PACK_BLK - 1) // _PACK_BLK) * _PACK_BLK


def _pack_body(eye_ref, x1_ref, x2_ref, o_ref):
    dn = (((0,), (0,)), ((), ()))
    t1 = lax.dot_general(x1_ref[...], eye_ref[...], dn,
                         preferred_element_type=jnp.float32)
    t2 = lax.dot_general(x2_ref[...], eye_ref[...], dn,
                         preferred_element_type=jnp.float32)
    o_ref[...] = jnp.concatenate([t1, t2], axis=1)


def _tc_pack(xt):
    d, v = xt.shape
    half = _pack_half(v)
    n_blocks = half // _PACK_BLK
    last_blk = (v - 1) // _PACK_BLK
    return pl.pallas_call(
        _pack_body,
        grid=(n_blocks,),
        in_specs=[
            pl.BlockSpec((d, d), lambda j: (0, 0)),
            pl.BlockSpec((d, _PACK_BLK), lambda j: (0, j)),
            pl.BlockSpec((d, _PACK_BLK),
                         lambda j: (0, jnp.minimum(j + n_blocks, last_blk))),
        ],
        out_specs=pl.BlockSpec((_PACK_BLK, 128), lambda j: (j, 0)),
        out_shape=jax.ShapeDtypeStruct((half, 128), jnp.float32),
        compiler_params=pltpu.CompilerParams(
            fuse_transposed_lhs_in_matmul=True,
        ),
    )(jnp.eye(d, dtype=jnp.float32), xt, xt)


def _sc_gather_body(uidx_hbm, iidx_hbm, ut_hbm, it_hbm,
                    ug_out, ig_out, idx_v, rows_v, sem):
    n_chunks = idx_v.shape[0]
    b_per_w = n_chunks * _CHUNK
    wid = lax.axis_index("s") * _NC + lax.axis_index("c")
    out_sl = pl.ds(wid * b_per_w, b_per_w)

    pltpu.sync_copy(uidx_hbm.at[wid], idx_v)
    copies = [pltpu.async_copy(ut_hbm.at[idx_v.at[c]],
                               rows_v.at[pl.ds(c * _CHUNK, _CHUNK)], sem)
              for c in range(n_chunks)]
    for cp in copies:
        cp.wait()
    pltpu.sync_copy(rows_v, ug_out.at[out_sl])

    pltpu.sync_copy(iidx_hbm.at[wid], idx_v)
    copies = [pltpu.async_copy(it_hbm.at[idx_v.at[c]],
                               rows_v.at[pl.ds(c * _CHUNK, _CHUNK)], sem)
              for c in range(n_chunks)]
    for cp in copies:
        cp.wait()
    pltpu.sync_copy(rows_v, ig_out.at[out_sl])


def _sc_gather_rows(user_ids, item_ids, ut, it):
    batch = user_ids.size
    emb_dim = ut.shape[1]
    b_per_w = batch // _NW
    n_chunks = b_per_w // _CHUNK
    uidx = user_ids.reshape(_NW, n_chunks, _CHUNK)
    iidx = item_ids.reshape(_NW, n_chunks, _CHUNK)

    mesh = plsc.VectorSubcoreMesh(core_axis_name="c", subcore_axis_name="s")
    run = pl.kernel(
        _sc_gather_body,
        out_type=(
            jax.ShapeDtypeStruct((batch, emb_dim), jnp.float32),
            jax.ShapeDtypeStruct((batch, emb_dim), jnp.float32),
        ),
        mesh=mesh,
        compiler_params=pltpu.CompilerParams(use_tc_tiling_on_sc=True),
        scratch_types=(
            pltpu.VMEM((n_chunks, _CHUNK), jnp.int32),
            pltpu.VMEM((b_per_w, emb_dim), jnp.float32),
            pltpu.SemaphoreType.DMA,
        ),
    )
    return run(uidx, iidx, ut, it)


def _sc_lin_body(uidx_hbm, iidx_hbm, ulin_hbm, ilin_hbm,
                 ulin_out, ilin_out, idx_v, val_u, val_i, sem):
    n_chunks = idx_v.shape[0]
    b_per_w = n_chunks * _CHUNK
    wid = lax.axis_index("s") * _NC + lax.axis_index("c")
    out_sl = pl.ds(wid * b_per_w, b_per_w)

    pltpu.sync_copy(uidx_hbm.at[wid], idx_v)
    copies = [pltpu.async_copy(ulin_hbm.at[idx_v.at[c]],
                               val_u.at[pl.ds(c * _CHUNK, _CHUNK)], sem)
              for c in range(n_chunks)]
    for cp in copies:
        cp.wait()
    pltpu.sync_copy(iidx_hbm.at[wid], idx_v)
    copies = [pltpu.async_copy(ilin_hbm.at[idx_v.at[c]],
                               val_i.at[pl.ds(c * _CHUNK, _CHUNK)], sem)
              for c in range(n_chunks)]
    for cp in copies:
        cp.wait()
    pltpu.sync_copy(val_u, ulin_out.at[out_sl])
    pltpu.sync_copy(val_i, ilin_out.at[out_sl])


def _sc_lin(user_ids, item_ids, ulin1, ilin1):
    batch = user_ids.shape[0]
    b_per_w = batch // _NW
    n_chunks = b_per_w // _CHUNK
    uidx = user_ids.reshape(_NW, n_chunks, _CHUNK)
    iidx = item_ids.reshape(_NW, n_chunks, _CHUNK)

    mesh = plsc.VectorSubcoreMesh(core_axis_name="c", subcore_axis_name="s")
    run = pl.kernel(
        _sc_lin_body,
        out_type=(
            jax.ShapeDtypeStruct((batch,), jnp.float32),
            jax.ShapeDtypeStruct((batch,), jnp.float32),
        ),
        mesh=mesh,
        compiler_params=pltpu.CompilerParams(use_tc_tiling_on_sc=False),
        scratch_types=(
            pltpu.VMEM((n_chunks, _CHUNK), jnp.int32),
            pltpu.VMEM((b_per_w,), jnp.float32),
            pltpu.VMEM((b_per_w,), jnp.float32),
            pltpu.SemaphoreType.DMA,
        ),
    )
    return run(uidx, iidx, ulin1, ilin1)


_M1_BLK = 2048


def _tc_mlp1_body(ug_ref, ig_ref, ulin_ref, ilin_ref,
                  bias_ref, w1u_ref, w1i_ref, b1_ref,
                  h_ref, fmlin_ref, acc_ref):
    j = pl.program_id(0)
    u = ug_ref[...]
    it = ig_ref[...]

    fm = jnp.sum(u * it, axis=1, keepdims=True)
    fmlin_ref[...] = fm + ulin_ref[...] + ilin_ref[...] + bias_ref[0, 0]

    h = (jnp.dot(u, w1u_ref[...], preferred_element_type=jnp.float32)
         + jnp.dot(it, w1i_ref[...], preferred_element_type=jnp.float32)
         + b1_ref[...])
    h_ref[...] = h

    @pl.when(j == 0)
    def _():
        acc_ref[...] = jnp.zeros_like(acc_ref)

    acc_ref[0:1, :] += jnp.sum(h, axis=0, keepdims=True)
    acc_ref[1:2, :] += jnp.sum(h * h, axis=0, keepdims=True)


def _tc_mlp2_body(h_ref, acc_ref, fmlin_ref, g1_ref, be1_ref,
                  w2_ref, b2_ref, g2_ref, be2_ref, w3_ref, b3_ref, out_ref):
    n = h_ref.shape[0]
    h = h_ref[...]
    m1 = acc_ref[0:1, :] * (1.0 / n)
    v1 = acc_ref[1:2, :] * (1.0 / n) - m1 * m1
    h = g1_ref[...] * (h - m1) * lax.rsqrt(v1 + _EPS) + be1_ref[...]
    h = jnp.maximum(h, 0.0)

    h2 = jnp.dot(h, w2_ref[...], preferred_element_type=jnp.float32) + b2_ref[...]
    m2 = jnp.mean(h2, axis=0, keepdims=True)
    v2 = jnp.mean((h2 - m2) * (h2 - m2), axis=0, keepdims=True)
    h2 = g2_ref[...] * (h2 - m2) * lax.rsqrt(v2 + _EPS) + be2_ref[...]
    h2 = jnp.maximum(h2, 0.0)

    deep = jnp.sum(h2 * w3_ref[...], axis=1, keepdims=True) + b3_ref[0, 0]
    out_ref[...] = jax.nn.sigmoid(fmlin_ref[...] + deep)


def _tc_mlp(ug, ig, ulin, ilin, bias, W1, b1, g1, be1,
            W2, b2, g2, be2, W3, b3):
    batch = ug.shape[0]
    emb_dim = 64
    w1u = W1[:, :emb_dim].T
    w1i = W1[:, emb_dim:].T
    w2 = W2.T
    nb = batch // _M1_BLK

    col = lambda x: x.reshape(batch, 1)
    bcast = lambda j: (0, 0)
    h, fmlin, acc = pl.pallas_call(
        _tc_mlp1_body,
        grid=(nb,),
        in_specs=[
            pl.BlockSpec((_M1_BLK, emb_dim), lambda j: (j, 0)),
            pl.BlockSpec((_M1_BLK, emb_dim), lambda j: (j, 0)),
            pl.BlockSpec((_M1_BLK, 1), lambda j: (j, 0)),
            pl.BlockSpec((_M1_BLK, 1), lambda j: (j, 0)),
            pl.BlockSpec((1, 1), bcast),
            pl.BlockSpec((64, 128), bcast),
            pl.BlockSpec((64, 128), bcast),
            pl.BlockSpec((1, 128), bcast),
        ],
        out_specs=[
            pl.BlockSpec((_M1_BLK, 128), lambda j: (j, 0)),
            pl.BlockSpec((_M1_BLK, 1), lambda j: (j, 0)),
            pl.BlockSpec((2, 128), bcast),
        ],
        out_shape=[
            jax.ShapeDtypeStruct((batch, 128), jnp.float32),
            jax.ShapeDtypeStruct((batch, 1), jnp.float32),
            jax.ShapeDtypeStruct((2, 128), jnp.float32),
        ],
    )(ug, ig, col(ulin), col(ilin), bias.reshape(1, 1),
      w1u, w1i, b1.reshape(1, -1))

    return pl.pallas_call(
        _tc_mlp2_body,
        out_shape=jax.ShapeDtypeStruct((batch, 1), jnp.float32),
        compiler_params=pltpu.CompilerParams(
            vmem_limit_bytes=60 * 1024 * 1024,
        ),
    )(h, acc, fmlin, g1.reshape(1, -1), be1.reshape(1, -1),
      w2, b2.reshape(1, -1), g2.reshape(1, -1), be2.reshape(1, -1),
      W3, b3.reshape(1, 1))


def kernel(user_ids, item_ids, user_emb_table, item_emb_table,
           user_lin_table, item_lin_table, bias,
           W1, b1, g1, be1, W2, b2, g2, be2, W3, b3):
    ulin_g, ilin_g = _sc_lin(user_ids, item_ids,
                             user_lin_table.reshape(-1),
                             item_lin_table.reshape(-1))
    v = user_emb_table.shape[0]
    pu = user_emb_table.reshape(v // 2, 128)
    pi = item_emb_table.reshape(v // 2, 128)
    ug2, ig2 = _sc_gather_rows(user_ids >> 1, item_ids >> 1, pu, pi)
    upar = (user_ids & 1).reshape(-1, 1)
    ipar = (item_ids & 1).reshape(-1, 1)
    ug = jnp.where(upar > 0, ug2[:, 64:], ug2[:, :64])
    ig = jnp.where(ipar > 0, ig2[:, 64:], ig2[:, :64])
    pred = _tc_mlp(ug, ig, ulin_g, ilin_g,
                   bias, W1, b1, g1, be1, W2, b2, g2, be2, W3, b3)
    return jnp.squeeze(pred, axis=-1)

# --- scband reference (transcript-rebuilt; emitter-appended) ---
"""Pipeline reference for scband-deep-fm-4879082848891 (READ-ONLY COPY).

The authoritative reference and input builder live on the scoring server;
editing this copy changes nothing except your own understanding.
"""

import jax, jax.numpy as jnp
import numpy as np

NUM_USERS = 1000000
NUM_ITEMS = 1000000
EMB_DIM = 64
BATCH = 16384
EPS = 1e-5


def setup_inputs(seed: int = 0) -> dict:
    key = jax.random.key(seed)
    ks = jax.random.split(key, 12)
    user_ids = jax.random.randint(ks[0], (BATCH,), 0, NUM_USERS, dtype=jnp.int64 if jax.config.jax_enable_x64 else jnp.int32).astype(jnp.int32)
    item_ids = jax.random.randint(ks[1], (BATCH,), 0, NUM_ITEMS, dtype=jnp.int32)
    user_emb_table = jax.random.normal(ks[2], (NUM_USERS, EMB_DIM), dtype=jnp.float32) * 0.01
    item_emb_table = jax.random.normal(ks[3], (NUM_ITEMS, EMB_DIM), dtype=jnp.float32) * 0.01
    user_lin_table = jnp.zeros((NUM_USERS, 1), dtype=jnp.float32)
    item_lin_table = jnp.zeros((NUM_ITEMS, 1), dtype=jnp.float32)
    bias = jnp.zeros((1,), dtype=jnp.float32)
    # Deep MLP: 128 -> 128 -> 64 -> 1 (input is 2*EMB_DIM)
    W1 = jax.random.normal(ks[4], (128, 2 * EMB_DIM), dtype=jnp.float32) * (1.0 / np.sqrt(2 * EMB_DIM))
    b1 = jnp.zeros((128,), dtype=jnp.float32)
    g1 = jnp.ones((128,), dtype=jnp.float32)
    be1 = jnp.zeros((128,), dtype=jnp.float32)
    W2 = jax.random.normal(ks[5], (64, 128), dtype=jnp.float32) * (1.0 / np.sqrt(128))
    b2 = jnp.zeros((64,), dtype=jnp.float32)
    g2 = jnp.ones((64,), dtype=jnp.float32)
    be2 = jnp.zeros((64,), dtype=jnp.float32)
    W3 = jax.random.normal(ks[6], (1, 64), dtype=jnp.float32) * (1.0 / np.sqrt(64))
    b3 = jnp.zeros((1,), dtype=jnp.float32)
    return {
        "user_ids": user_ids, "item_ids": item_ids,
        "user_emb_table": user_emb_table, "item_emb_table": item_emb_table,
        "user_lin_table": user_lin_table, "item_lin_table": item_lin_table,
        "bias": bias,
        "W1": W1, "b1": b1, "g1": g1, "be1": be1,
        "W2": W2, "b2": b2, "g2": g2, "be2": be2,
        "W3": W3, "b3": b3,
    }


def _batchnorm(h, g, be):
    # training-mode batch statistics (biased variance), like torch BatchNorm1d
    m = jnp.mean(h, axis=0, keepdims=True)
    v = jnp.var(h, axis=0, keepdims=True)
    return g * (h - m) / jnp.sqrt(v + EPS) + be


def reference(user_ids, item_ids, user_emb_table, item_emb_table,
              user_lin_table, item_lin_table, bias,
              W1, b1, g1, be1, W2, b2, g2, be2, W3, b3):
    linear_part = jnp.take(user_lin_table, user_ids, axis=0) + jnp.take(item_lin_table, item_ids, axis=0) + bias
    user_emb = jnp.take(user_emb_table, user_ids, axis=0)
    item_emb = jnp.take(item_emb_table, item_ids, axis=0)
    fm_part = jnp.sum(user_emb * item_emb, axis=1, keepdims=True)
    deep_in = jnp.concatenate([user_emb, item_emb], axis=-1)
    h = deep_in @ W1.T + b1
    h = jax.nn.relu(_batchnorm(h, g1, be1))
    h = h @ W2.T + b2
    h = jax.nn.relu(_batchnorm(h, g2, be2))
    deep_part = h @ W3.T + b3
    prediction = linear_part + fm_part + deep_part
    return jax.nn.sigmoid(jnp.squeeze(prediction, axis=-1))

if __name__ == "__main__":
    import jax
    _d = setup_inputs()
    print(jax.jit(kernel)(*tuple(_d.values())))

</pallas_src>

<mosaic_0001>
#map = affine_map<(d0, d1) -> (0, 0, 0)>
#map1 = affine_map<(d0, d1) -> (0, 0)>
module attributes {stable_mosaic.version = 14 : i64} {
  func.func @_sc_gather_body(%arg0: i32, %arg1: i32, %arg2: memref<32x4x128xi32, #tpu.memory_space<hbm>>, %arg3: memref<32x4x128xi32, #tpu.memory_space<hbm>>, %arg4: memref<500000x128xf32, #tpu.memory_space<hbm>>, %arg5: memref<500000x128xf32, #tpu.memory_space<hbm>>, %arg6: memref<16384x128xf32, #tpu.memory_space<hbm>>, %arg7: memref<16384x128xf32, #tpu.memory_space<hbm>>, %arg8: memref<4x128xi32, #tpu.memory_space<vmem>>, %arg9: memref<512x128xf32, #tpu.memory_space<vmem>>, %arg10: memref<!tpu.dma_semaphore, #tpu.memory_space<semaphore_mem>>) attributes {dimension_semantics = [#tpu.dimension_semantics<core_parallel>, #tpu.dimension_semantics<subcore_parallel>], iteration_bounds = array<i64: 2, 16>, scalar_prefetch = 0 : i64, scratch_operands = 3 : i64, tpu.core_type = #tpu.core_type<sc_vector_subcore>, window_params = [{transform_indices = #map}, {transform_indices = #map}, {transform_indices = #map1}, {transform_indices = #map1}, {transform_indices = #map1}, {transform_indices = #map1}]} {
    %mul3A = arith.constant 2 : i32
    %mul3A_0 = arith.muli %arg1, %mul3A : i32
    %add3A = arith.addi %mul3A_0, %arg0 : i32
    %mul3A_1 = arith.constant 512 : i32
    %mul3A_2 = arith.muli %add3A, %mul3A_1 : i32
    "tpu.region"() ({
      %run_scoped3A = tpu.sem_alloc : memref<!tpu.dma_semaphore, #tpu.memory_space<semaphore_mem>>
      %dma_start3A_161 = arith.constant 0 : i32
      %dma_start3A_162 = arith.constant 0 : i32
      %dma_start3A_163 = tpu.memref_slice %arg2[%add3A, %dma_start3A_161, %dma_start3A_162] : memref<32x4x128xi32, #tpu.memory_space<hbm>> -> memref<1x4x128xi32, #tpu.memory_space<hbm>>
      %dma_start3A_164 = tpu.memref_squeeze %dma_start3A_163 : memref<1x4x128xi32, #tpu.memory_space<hbm>> -> memref<4x128xi32, #tpu.memory_space<hbm>>
      %dma_start3A_165 = arith.constant 0 : i32
      %dma_start3A_166 = arith.constant 0 : i32
      %dma_start3A_167 = tpu.memref_slice %arg2[%add3A, %dma_start3A_165, %dma_start3A_166] : memref<32x4x128xi32, #tpu.memory_space<hbm>> -> memref<1x4x128xi32, #tpu.memory_space<hbm>>
      %dma_start3A_168 = tpu.memref_squeeze %dma_start3A_167 : memref<1x4x128xi32, #tpu.memory_space<hbm>> -> memref<4x128xi32, #tpu.memory_space<hbm>>
      tpu.enqueue_dma source(%dma_start3A_168 : memref<4x128xi32, #tpu.memory_space<hbm>>) target(%arg8 : memref<4x128xi32, #tpu.memory_space<vmem>>) target_semaphore(%run_scoped3A : memref<!tpu.dma_semaphore, #tpu.memory_space<semaphore_mem>>)
      %dma_wait3A_169 = arith.constant 0 : i32
      %dma_wait3A_170 = arith.constant 0 : i32
      %dma_wait3A_171 = tpu.memref_slice %arg2[%add3A, %dma_wait3A_169, %dma_wait3A_170] : memref<32x4x128xi32, #tpu.memory_space<hbm>> -> memref<1x4x128xi32, #tpu.memory_space<hbm>>
      %dma_wait3A_172 = tpu.memref_squeeze %dma_wait3A_171 : memref<1x4x128xi32, #tpu.memory_space<hbm>> -> memref<4x128xi32, #tpu.memory_space<hbm>>
      %dma_wait3A_173 = arith.constant 0 : i32
      %dma_wait3A_174 = arith.constant 0 : i32
      %dma_wait3A_175 = tpu.memref_slice %arg2[%add3A, %dma_wait3A_173, %dma_wait3A_174] : memref<32x4x128xi32, #tpu.memory_space<hbm>> -> memref<1x4x128xi32, #tpu.memory_space<hbm>>
      %dma_wait3A_176 = tpu.memref_squeeze %dma_wait3A_175 : memref<1x4x128xi32, #tpu.memory_space<hbm>> -> memref<4x128xi32, #tpu.memory_space<hbm>>
      tpu.wait_dma2 semaphore(%run_scoped3A : memref<!tpu.dma_semaphore, #tpu.memory_space<semaphore_mem>>) src(%dma_wait3A_176 : memref<4x128xi32, #tpu.memory_space<hbm>>) dst(%arg8 : memref<4x128xi32, #tpu.memory_space<vmem>>)
      tpu.yield
    }) : () -> ()
    %dma_start3A = arith.constant 0 : i32
    %dma_start3A_3 = arith.constant 0 : i32
    %dma_start3A_4 = arith.constant 0 : i32
    %dma_start3A_5 = tpu.memref_slice %arg9[%dma_start3A_3, %dma_start3A_4] : memref<512x128xf32, #tpu.memory_space<vmem>> -> memref<128x128xf32, #tpu.memory_space<vmem>>
    %dma_start3A_6 = arith.constant 0 : i32
    %dma_start3A_7 = tpu.memref_slice %arg8[%dma_start3A, %dma_start3A_6] : memref<4x128xi32, #tpu.memory_space<vmem>> -> memref<1x128xi32, #tpu.memory_space<vmem>>
    %dma_start3A_8 = tpu.memref_squeeze %dma_start3A_7 : memref<1x128xi32, #tpu.memory_space<vmem>> -> memref<128xi32, #tpu.memory_space<vmem>>
    %dma_start3A_9 = arith.constant 0 : i32
    %dma_start3A_10 = arith.constant 0 : i32
    %dma_start3A_11 = tpu.memref_slice %arg4[%dma_start3A_9, %dma_start3A_10] : memref<500000x128xf32, #tpu.memory_space<hbm>> -> memref<500000x128xf32, #tpu.memory_space<hbm>>
    tpu.enqueue_indirect_dma source(%dma_start3A_11 : memref<500000x128xf32, #tpu.memory_space<hbm>>) target(%dma_start3A_5 : memref<128x128xf32, #tpu.memory_space<vmem>>) offsets(%dma_start3A_8 : memref<128xi32, #tpu.memory_space<vmem>>) semaphore(%arg10 : memref<!tpu.dma_semaphore, #tpu.memory_space<semaphore_mem>>)
    %dma_start3A_12 = arith.constant 1 : i32
    %dma_start3A_13 = arith.constant 128 : i32
    %dma_start3A_14 = arith.constant 0 : i32
    %dma_start3A_15 = tpu.memref_slice %arg9[%dma_start3A_13, %dma_start3A_14] : memref<512x128xf32, #tpu.memory_space<vmem>> -> memref<128x128xf32, #tpu.memory_space<vmem>>
    %dma_start3A_16 = arith.constant 0 : i32
    %dma_start3A_17 = tpu.memref_slice %arg8[%dma_start3A_12, %dma_start3A_16] : memref<4x128xi32, #tpu.memory_space<vmem>> -> memref<1x128xi32, #tpu.memory_space<vmem>>
    %dma_start3A_18 = tpu.memref_squeeze %dma_start3A_17 : memref<1x128xi32, #tpu.memory_space<vmem>> -> memref<128xi32, #tpu.memory_space<vmem>>
    %dma_start3A_19 = arith.constant 0 : i32
    %dma_start3A_20 = arith.constant 0 : i32
    %dma_start3A_21 = tpu.memref_slice %arg4[%dma_start3A_19, %dma_start3A_20] : memref<500000x128xf32, #tpu.memory_space<hbm>> -> memref<500000x128xf32, #tpu.memory_space<hbm>>
    tpu.enqueue_indirect_dma source(%dma_start3A_21 : memref<500000x128xf32, #tpu.memory_space<hbm>>) target(%dma_start3A_15 : memref<128x128xf32, #tpu.memory_space<vmem>>) offsets(%dma_start3A_18 : memref<128xi32, #tpu.memory_space<vmem>>) semaphore(%arg10 : memref<!tpu.dma_semaphore, #tpu.memory_space<semaphore_mem>>)
    %dma_start3A_22 = arith.constant 2 : i32
    %dma_start3A_23 = arith.constant 256 : i32
    %dma_start3A_24 = arith.constant 0 : i32
    %dma_start3A_25 = tpu.memref_slice %arg9[%dma_start3A_23, %dma_start3A_24] : memref<512x128xf32, #tpu.memory_space<vmem>> -> memref<128x128xf32, #tpu.memory_space<vmem>>
    %dma_start3A_26 = arith.constant 0 : i32
    %dma_start3A_27 = tpu.memref_slice %arg8[%dma_start3A_22, %dma_start3A_26] : memref<4x128xi32, #tpu.memory_space<vmem>> -> memref<1x128xi32, #tpu.memory_space<vmem>>
    %dma_start3A_28 = tpu.memref_squeeze %dma_start3A_27 : memref<1x128xi32, #tpu.memory_space<vmem>> -> memref<128xi32, #tpu.memory_space<vmem>>
    %dma_start3A_29 = arith.constant 0 : i32
    %dma_start3A_30 = arith.constant 0 : i32
    %dma_start3A_31 = tpu.memref_slice %arg4[%dma_start3A_29, %dma_start3A_30] : memref<500000x128xf32, #tpu.memory_space<hbm>> -> memref<500000x128xf32, #tpu.memory_space<hbm>>
    tpu.enqueue_indirect_dma source(%dma_start3A_31 : memref<500000x128xf32, #tpu.memory_space<hbm>>) target(%dma_start3A_25 : memref<128x128xf32, #tpu.memory_space<vmem>>) offsets(%dma_start3A_28 : memref<128xi32, #tpu.memory_space<vmem>>) semaphore(%arg10 : memref<!tpu.dma_semaphore, #tpu.memory_space<semaphore_mem>>)
    %dma_start3A_32 = arith.constant 3 : i32
    %dma_start3A_33 = arith.constant 384 : i32
    %dma_start3A_34 = arith.constant 0 : i32
    %dma_start3A_35 = tpu.memref_slice %arg9[%dma_start3A_33, %dma_start3A_34] : memref<512x128xf32, #tpu.memory_space<vmem>> -> memref<128x128xf32, #tpu.memory_space<vmem>>
    %dma_start3A_36 = arith.constant 0 : i32
    %dma_start3A_37 = tpu.memref_slice %arg8[%dma_start3A_32, %dma_start3A_36] : memref<4x128xi32, #tpu.memory_space<vmem>> -> memref<1x128xi32, #tpu.memory_space<vmem>>
    %dma_start3A_38 = tpu.memref_squeeze %dma_start3A_37 : memref<1x128xi32, #tpu.memory_space<vmem>> -> memref<128xi32, #tpu.memory_space<vmem>>
    %dma_start3A_39 = arith.constant 0 : i32
    %dma_start3A_40 = arith.constant 0 : i32
    %dma_start3A_41 = tpu.memref_slice %arg4[%dma_start3A_39, %dma_start3A_40] : memref<500000x128xf32, #tpu.memory_space<hbm>> -> memref<500000x128xf32, #tpu.memory_space<hbm>>
    tpu.enqueue_indirect_dma source(%dma_start3A_41 : memref<500000x128xf32, #tpu.memory_space<hbm>>) target(%dma_start3A_35 : memref<128x128xf32, #tpu.memory_space<vmem>>) offsets(%dma_start3A_38 : memref<128xi32, #tpu.memory_space<vmem>>) semaphore(%arg10 : memref<!tpu.dma_semaphore, #tpu.memory_space<semaphore_mem>>)
    %dma_wait3A = arith.constant 0 : i32
    %dma_wait3A_42 = arith.constant 0 : i32
    %dma_wait3A_43 = arith.constant 0 : i32
    %dma_wait3A_44 = tpu.memref_slice %arg9[%dma_wait3A_42, %dma_wait3A_43] : memref<512x128xf32, #tpu.memory_space<vmem>> -> memref<128x128xf32, #tpu.memory_space<vmem>>
    %dma_wait3A_45 = arith.constant 0 : i32
    %dma_wait3A_46 = tpu.memref_slice %arg8[%dma_wait3A, %dma_wait3A_45] : memref<4x128xi32, #tpu.memory_space<vmem>> -> memref<1x128xi32, #tpu.memory_space<vmem>>
    %dma_wait3A_47 = tpu.memref_squeeze %dma_wait3A_46 : memref<1x128xi32, #tpu.memory_space<vmem>> -> memref<128xi32, #tpu.memory_space<vmem>>
    %dma_wait3A_48 = arith.constant 0 : i32
    %dma_wait3A_49 = arith.constant 0 : i32
    %dma_wait3A_50 = tpu.memref_slice %arg4[%dma_wait3A_48, %dma_wait3A_49] : memref<500000x128xf32, #tpu.memory_space<hbm>> -> memref<500000x128xf32, #tpu.memory_space<hbm>>
    tpu.wait_indirect_dma semaphore(%arg10 : memref<!tpu.dma_semaphore, #tpu.memory_space<semaphore_mem>>) src(%dma_wait3A_50 : memref<500000x128xf32, #tpu.memory_space<hbm>>) dst(%dma_wait3A_44 : memref<128x128xf32, #tpu.memory_space<vmem>>)
    %dma_wait3A_51 = arith.constant 1 : i32
    %dma_wait3A_52 = arith.constant 128 : i32
    %dma_wait3A_53 = arith.constant 0 : i32
    %dma_wait3A_54 = tpu.memref_slice %arg9[%dma_wait3A_52, %dma_wait3A_53] : memref<512x128xf32, #tpu.memory_space<vmem>> -> memref<128x128xf32, #tpu.memory_space<vmem>>
    %dma_wait3A_55 = arith.constant 0 : i32
    %dma_wait3A_56 = tpu.memref_slice %arg8[%dma_wait3A_51, %dma_wait3A_55] : memref<4x128xi32, #tpu.memory_space<vmem>> -> memref<1x128xi32, #tpu.memory_space<vmem>>
    %dma_wait3A_57 = tpu.memref_squeeze %dma_wait3A_56 : memref<1x128xi32, #tpu.memory_space<vmem>> -> memref<128xi32, #tpu.memory_space<vmem>>
    %dma_wait3A_58 = arith.constant 0 : i32
    %dma_wait3A_59 = arith.constant 0 : i32
    %dma_wait3A_60 = tpu.memref_slice %arg4[%dma_wait3A_58, %dma_wait3A_59] : memref<500000x128xf32, #tpu.memory_space<hbm>> -> memref<500000x128xf32, #tpu.memory_space<hbm>>
    tpu.wait_indirect_dma semaphore(%arg10 : memref<!tpu.dma_semaphore, #tpu.memory_space<semaphore_mem>>) src(%dma_wait3A_60 : memref<500000x128xf32, #tpu.memory_space<hbm>>) dst(%dma_wait3A_54 : memref<128x128xf32, #tpu.memory_space<vmem>>)
    %dma_wait3A_61 = arith.constant 2 : i32
    %dma_wait3A_62 = arith.constant 256 : i32
    %dma_wait3A_63 = arith.constant 0 : i32
    %dma_wait3A_64 = tpu.memref_slice %arg9[%dma_wait3A_62, %dma_wait3A_63] : memref<512x128xf32, #tpu.memory_space<vmem>> -> memref<128x128xf32, #tpu.memory_space<vmem>>
    %dma_wait3A_65 = arith.constant 0 : i32
    %dma_wait3A_66 = tpu.memref_slice %arg8[%dma_wait3A_61, %dma_wait3A_65] : memref<4x128xi32, #tpu.memory_space<vmem>> -> memref<1x128xi32, #tpu.memory_space<vmem>>
    %dma_wait3A_67 = tpu.memref_squeeze %dma_wait3A_66 : memref<1x128xi32, #tpu.memory_space<vmem>> -> memref<128xi32, #tpu.memory_space<vmem>>
    %dma_wait3A_68 = arith.constant 0 : i32
    %dma_wait3A_69 = arith.constant 0 : i32
    %dma_wait3A_70 = tpu.memref_slice %arg4[%dma_wait3A_68, %dma_wait3A_69] : memref<500000x128xf32, #tpu.memory_space<hbm>> -> memref<500000x128xf32, #tpu.memory_space<hbm>>
    tpu.wait_indirect_dma semaphore(%arg10 : memref<!tpu.dma_semaphore, #tpu.memory_space<semaphore_mem>>) src(%dma_wait3A_70 : memref<500000x128xf32, #tpu.memory_space<hbm>>) dst(%dma_wait3A_64 : memref<128x128xf32, #tpu.memory_space<vmem>>)
    %dma_wait3A_71 = arith.constant 3 : i32
    %dma_wait3A_72 = arith.constant 384 : i32
    %dma_wait3A_73 = arith.constant 0 : i32
    %dma_wait3A_74 = tpu.memref_slice %arg9[%dma_wait3A_72, %dma_wait3A_73] : memref<512x128xf32, #tpu.memory_space<vmem>> -> memref<128x128xf32, #tpu.memory_space<vmem>>
    %dma_wait3A_75 = arith.constant 0 : i32
    %dma_wait3A_76 = tpu.memref_slice %arg8[%dma_wait3A_71, %dma_wait3A_75] : memref<4x128xi32, #tpu.memory_space<vmem>> -> memref<1x128xi32, #tpu.memory_space<vmem>>
    %dma_wait3A_77 = tpu.memref_squeeze %dma_wait3A_76 : memref<1x128xi32, #tpu.memory_space<vmem>> -> memref<128xi32, #tpu.memory_space<vmem>>
    %dma_wait3A_78 = arith.constant 0 : i32
    %dma_wait3A_79 = arith.constant 0 : i32
    %dma_wait3A_80 = tpu.memref_slice %arg4[%dma_wait3A_78, %dma_wait3A_79] : memref<500000x128xf32, #tpu.memory_space<hbm>> -> memref<500000x128xf32, #tpu.memory_space<hbm>>
    tpu.wait_indirect_dma semaphore(%arg10 : memref<!tpu.dma_semaphore, #tpu.memory_space<semaphore_mem>>) src(%dma_wait3A_80 : memref<500000x128xf32, #tpu.memory_space<hbm>>) dst(%dma_wait3A_74 : memref<128x128xf32, #tpu.memory_space<vmem>>)
    "tpu.region"() ({
      %run_scoped3A = tpu.sem_alloc : memref<!tpu.dma_semaphore, #tpu.memory_space<semaphore_mem>>
      %dma_start3A_161 = arith.constant 0 : i32
      %dma_start3A_162 = tpu.memref_slice %arg6[%mul3A_2, %dma_start3A_161] : memref<16384x128xf32, #tpu.memory_space<hbm>> -> memref<512x128xf32, #tpu.memory_space<hbm>>
      %dma_start3A_163 = arith.constant 0 : i32
      %dma_start3A_164 = tpu.memref_slice %arg6[%mul3A_2, %dma_start3A_163] : memref<16384x128xf32, #tpu.memory_space<hbm>> -> memref<512x128xf32, #tpu.memory_space<hbm>>
      tpu.enqueue_dma source(%arg9 : memref<512x128xf32, #tpu.memory_space<vmem>>) target(%dma_start3A_164 : memref<512x128xf32, #tpu.memory_space<hbm>>) target_semaphore(%run_scoped3A : memref<!tpu.dma_semaphore, #tpu.memory_space<semaphore_mem>>)
      %dma_wait3A_165 = arith.constant 0 : i32
      %dma_wait3A_166 = tpu.memref_slice %arg6[%mul3A_2, %dma_wait3A_165] : memref<16384x128xf32, #tpu.memory_space<hbm>> -> memref<512x128xf32, #tpu.memory_space<hbm>>
      %dma_wait3A_167 = arith.constant 0 : i32
      %dma_wait3A_168 = tpu.memref_slice %arg6[%mul3A_2, %dma_wait3A_167] : memref<16384x128xf32, #tpu.memory_space<hbm>> -> memref<512x128xf32, #tpu.memory_space<hbm>>
      tpu.wait_dma2 semaphore(%run_scoped3A : memref<!tpu.dma_semaphore, #tpu.memory_space<semaphore_mem>>) src(%arg9 : memref<512x128xf32, #tpu.memory_space<vmem>>) dst(%dma_wait3A_168 : memref<512x128xf32, #tpu.memory_space<hbm>>)
      tpu.yield
    }) : () -> ()
    "tpu.region"() ({
      %run_scoped3A = tpu.sem_alloc : memref<!tpu.dma_semaphore, #tpu.memory_space<semaphore_mem>>
      %dma_start3A_161 = arith.constant 0 : i32
      %dma_start3A_162 = arith.constant 0 : i32
      %dma_start3A_163 = tpu.memref_slice %arg3[%add3A, %dma_start3A_161, %dma_start3A_162] : memref<32x4x128xi32, #tpu.memory_space<hbm>> -> memref<1x4x128xi32, #tpu.memory_space<hbm>>
      %dma_start3A_164 = tpu.memref_squeeze %dma_start3A_163 : memref<1x4x128xi32, #tpu.memory_space<hbm>> -> memref<4x128xi32, #tpu.memory_space<hbm>>
      %dma_start3A_165 = arith.constant 0 : i32
      %dma_start3A_166 = arith.constant 0 : i32
      %dma_start3A_167 = tpu.memref_slice %arg3[%add3A, %dma_start3A_165, %dma_start3A_166] : memref<32x4x128xi32, #tpu.memory_space<hbm>> -> memref<1x4x128xi32, #tpu.memory_space<hbm>>
      %dma_start3A_168 = tpu.memref_squeeze %dma_start3A_167 : memref<1x4x128xi32, #tpu.memory_space<hbm>> -> memref<4x128xi32, #tpu.memory_space<hbm>>
      tpu.enqueue_dma source(%dma_start3A_168 : memref<4x128xi32, #tpu.memory_space<hbm>>) target(%arg8 : memref<4x128xi32, #tpu.memory_space<vmem>>) target_semaphore(%run_scoped3A : memref<!tpu.dma_semaphore, #tpu.memory_space<semaphore_mem>>)
      %dma_wait3A_169 = arith.constant 0 : i32
      %dma_wait3A_170 = arith.constant 0 : i32
      %dma_wait3A_171 = tpu.memref_slice %arg3[%add3A, %dma_wait3A_169, %dma_wait3A_170] : memref<32x4x128xi32, #tpu.memory_space<hbm>> -> memref<1x4x128xi32, #tpu.memory_space<hbm>>
      %dma_wait3A_172 = tpu.memref_squeeze %dma_wait3A_171 : memref<1x4x128xi32, #tpu.memory_space<hbm>> -> memref<4x128xi32, #tpu.memory_space<hbm>>
      %dma_wait3A_173 = arith.constant 0 : i32
      %dma_wait3A_174 = arith.constant 0 : i32
      %dma_wait3A_175 = tpu.memref_slice %arg3[%add3A, %dma_wait3A_173, %dma_wait3A_174] : memref<32x4x128xi32, #tpu.memory_space<hbm>> -> memref<1x4x128xi32, #tpu.memory_space<hbm>>
      %dma_wait3A_176 = tpu.memref_squeeze %dma_wait3A_175 : memref<1x4x128xi32, #tpu.memory_space<hbm>> -> memref<4x128xi32, #tpu.memory_space<hbm>>
      tpu.wait_dma2 semaphore(%run_scoped3A : memref<!tpu.dma_semaphore, #tpu.memory_space<semaphore_mem>>) src(%dma_wait3A_176 : memref<4x128xi32, #tpu.memory_space<hbm>>) dst(%arg8 : memref<4x128xi32, #tpu.memory_space<vmem>>)
      tpu.yield
    }) : () -> ()
    %dma_start3A_81 = arith.constant 0 : i32
    %dma_start3A_82 = arith.constant 0 : i32
    %dma_start3A_83 = arith.constant 0 : i32
    %dma_start3A_84 = tpu.memref_slice %arg9[%dma_start3A_82, %dma_start3A_83] : memref<512x128xf32, #tpu.memory_space<vmem>> -> memref<128x128xf32, #tpu.memory_space<vmem>>
    %dma_start3A_85 = arith.constant 0 : i32
    %dma_start3A_86 = tpu.memref_slice %arg8[%dma_start3A_81, %dma_start3A_85] : memref<4x128xi32, #tpu.memory_space<vmem>> -> memref<1x128xi32, #tpu.memory_space<vmem>>
    %dma_start3A_87 = tpu.memref_squeeze %dma_start3A_86 : memref<1x128xi32, #tpu.memory_space<vmem>> -> memref<128xi32, #tpu.memory_space<vmem>>
    %dma_start3A_88 = arith.constant 0 : i32
    %dma_start3A_89 = arith.constant 0 : i32
    %dma_start3A_90 = tpu.memref_slice %arg5[%dma_start3A_88, %dma_start3A_89] : memref<500000x128xf32, #tpu.memory_space<hbm>> -> memref<500000x128xf32, #tpu.memory_space<hbm>>
    tpu.enqueue_indirect_dma source(%dma_start3A_90 : memref<500000x128xf32, #tpu.memory_space<hbm>>) target(%dma_start3A_84 : memref<128x128xf32, #tpu.memory_space<vmem>>) offsets(%dma_start3A_87 : memref<128xi32, #tpu.memory_space<vmem>>) semaphore(%arg10 : memref<!tpu.dma_semaphore, #tpu.memory_space<semaphore_mem>>)
    %dma_start3A_91 = arith.constant 1 : i32
    %dma_start3A_92 = arith.constant 128 : i32
    %dma_start3A_93 = arith.constant 0 : i32
    %dma_start3A_94 = tpu.memref_slice %arg9[%dma_start3A_92, %dma_start3A_93] : memref<512x128xf32, #tpu.memory_space<vmem>> -> memref<128x128xf32, #tpu.memory_space<vmem>>
    %dma_start3A_95 = arith.constant 0 : i32
    %dma_start3A_96 = tpu.memref_slice %arg8[%dma_start3A_91, %dma_start3A_95] : memref<4x128xi32, #tpu.memory_space<vmem>> -> memref<1x128xi32, #tpu.memory_space<vmem>>
    %dma_start3A_97 = tpu.memref_squeeze %dma_start3A_96 : memref<1x128xi32, #tpu.memory_space<vmem>> -> memref<128xi32, #tpu.memory_space<vmem>>
    %dma_start3A_98 = arith.constant 0 : i32
    %dma_start3A_99 = arith.constant 0 : i32
    %dma_start3A_100 = tpu.memref_slice %arg5[%dma_start3A_98, %dma_start3A_99] : memref<500000x128xf32, #tpu.memory_space<hbm>> -> memref<500000x128xf32, #tpu.memory_space<hbm>>
    tpu.enqueue_indirect_dma source(%dma_start3A_100 : memref<500000x128xf32, #tpu.memory_space<hbm>>) target(%dma_start3A_94 : memref<128x128xf32, #tpu.memory_space<vmem>>) offsets(%dma_start3A_97 : memref<128xi32, #tpu.memory_space<vmem>>) semaphore(%arg10 : memref<!tpu.dma_semaphore, #tpu.memory_space<semaphore_mem>>)
    %dma_start3A_101 = arith.constant 2 : i32
    %dma_start3A_102 = arith.constant 256 : i32
    %dma_start3A_103 = arith.constant 0 : i32
    %dma_start3A_104 = tpu.memref_slice %arg9[%dma_start3A_102, %dma_start3A_103] : memref<512x128xf32, #tpu.memory_space<vmem>> -> memref<128x128xf32, #tpu.memory_space<vmem>>
    %dma_start3A_105 = arith.constant 0 : i32
    %dma_start3A_106 = tpu.memref_slice %arg8[%dma_start3A_101, %dma_start3A_105] : memref<4x128xi32, #tpu.memory_space<vmem>> -> memref<1x128xi32, #tpu.memory_space<vmem>>
    %dma_start3A_107 = tpu.memref_squeeze %dma_start3A_106 : memref<1x128xi32, #tpu.memory_space<vmem>> -> memref<128xi32, #tpu.memory_space<vmem>>
    %dma_start3A_108 = arith.constant 0 : i32
    %dma_start3A_109 = arith.constant 0 : i32
    %dma_start3A_110 = tpu.memref_slice %arg5[%dma_start3A_108, %dma_start3A_109] : memref<500000x128xf32, #tpu.memory_space<hbm>> -> memref<500000x128xf32, #tpu.memory_space<hbm>>
    tpu.enqueue_indirect_dma source(%dma_start3A_110 : memref<500000x128xf32, #tpu.memory_space<hbm>>) target(%dma_start3A_104 : memref<128x128xf32, #tpu.memory_space<vmem>>) offsets(%dma_start3A_107 : memref<128xi32, #tpu.memory_space<vmem>>) semaphore(%arg10 : memref<!tpu.dma_semaphore, #tpu.memory_space<semaphore_mem>>)
    %dma_start3A_111 = arith.constant 3 : i32
    %dma_start3A_112 = arith.constant 384 : i32
    %dma_start3A_113 = arith.constant 0 : i32
    %dma_start3A_114 = tpu.memref_slice %arg9[%dma_start3A_112, %dma_start3A_113] : memref<512x128xf32, #tpu.memory_space<vmem>> -> memref<128x128xf32, #tpu.memory_space<vmem>>
    %dma_start3A_115 = arith.constant 0 : i32
    %dma_start3A_116 = tpu.memref_slice %arg8[%dma_start3A_111, %dma_start3A_115] : memref<4x128xi32, #tpu.memory_space<vmem>> -> memref<1x128xi32, #tpu.memory_space<vmem>>
    %dma_start3A_117 = tpu.memref_squeeze %dma_start3A_116 : memref<1x128xi32, #tpu.memory_space<vmem>> -> memref<128xi32, #tpu.memory_space<vmem>>
    %dma_start3A_118 = arith.constant 0 : i32
    %dma_start3A_119 = arith.constant 0 : i32
    %dma_start3A_120 = tpu.memref_slice %arg5[%dma_start3A_118, %dma_start3A_119] : memref<500000x128xf32, #tpu.memory_space<hbm>> -> memref<500000x128xf32, #tpu.memory_space<hbm>>
    tpu.enqueue_indirect_dma source(%dma_start3A_120 : memref<500000x128xf32, #tpu.memory_space<hbm>>) target(%dma_start3A_114 : memref<128x128xf32, #tpu.memory_space<vmem>>) offsets(%dma_start3A_117 : memref<128xi32, #tpu.memory_space<vmem>>) semaphore(%arg10 : memref<!tpu.dma_semaphore, #tpu.memory_space<semaphore_mem>>)
    %dma_wait3A_121 = arith.constant 0 : i32
    %dma_wait3A_122 = arith.constant 0 : i32
    %dma_wait3A_123 = arith.constant 0 : i32
    %dma_wait3A_124 = tpu.memref_slice %arg9[%dma_wait3A_122, %dma_wait3A_123] : memref<512x128xf32, #tpu.memory_space<vmem>> -> memref<128x128xf32, #tpu.memory_space<vmem>>
    %dma_wait3A_125 = arith.constant 0 : i32
    %dma_wait3A_126 = tpu.memref_slice %arg8[%dma_wait3A_121, %dma_wait3A_125] : memref<4x128xi32, #tpu.memory_space<vmem>> -> memref<1x128xi32, #tpu.memory_space<vmem>>
    %dma_wait3A_127 = tpu.memref_squeeze %dma_wait3A_126 : memref<1x128xi32, #tpu.memory_space<vmem>> -> memref<128xi32, #tpu.memory_space<vmem>>
    %dma_wait3A_128 = arith.constant 0 : i32
    %dma_wait3A_129 = arith.constant 0 : i32
    %dma_wait3A_130 = tpu.memref_slice %arg5[%dma_wait3A_128, %dma_wait3A_129] : memref<500000x128xf32, #tpu.memory_space<hbm>> -> memref<500000x128xf32, #tpu.memory_space<hbm>>
    tpu.wait_indirect_dma semaphore(%arg10 : memref<!tpu.dma_semaphore, #tpu.memory_space<semaphore_mem>>) src(%dma_wait3A_130 : memref<500000x128xf32, #tpu.memory_space<hbm>>) dst(%dma_wait3A_124 : memref<128x128xf32, #tpu.memory_space<vmem>>)
    %dma_wait3A_131 = arith.constant 1 : i32
    %dma_wait3A_132 = arith.constant 128 : i32
    %dma_wait3A_133 = arith.constant 0 : i32
    %dma_wait3A_134 = tpu.memref_slice %arg9[%dma_wait3A_132, %dma_wait3A_133] : memref<512x128xf32, #tpu.memory_space<vmem>> -> memref<128x128xf32, #tpu.memory_space<vmem>>
    %dma_wait3A_135 = arith.constant 0 : i32
    %dma_wait3A_136 = tpu.memref_slice %arg8[%dma_wait3A_131, %dma_wait3A_135] : memref<4x128xi32, #tpu.memory_space<vmem>> -> memref<1x128xi32, #tpu.memory_space<vmem>>
    %dma_wait3A_137 = tpu.memref_squeeze %dma_wait3A_136 : memref<1x128xi32, #tpu.memory_space<vmem>> -> memref<128xi32, #tpu.memory_space<vmem>>
    %dma_wait3A_138 = arith.constant 0 : i32
    %dma_wait3A_139 = arith.constant 0 : i32
    %dma_wait3A_140 = tpu.memref_slice %arg5[%dma_wait3A_138, %dma_wait3A_139] : memref<500000x128xf32, #tpu.memory_space<hbm>> -> memref<500000x128xf32, #tpu.memory_space<hbm>>
    tpu.wait_indirect_dma semaphore(%arg10 : memref<!tpu.dma_semaphore, #tpu.memory_space<semaphore_mem>>) src(%dma_wait3A_140 : memref<500000x128xf32, #tpu.memory_space<hbm>>) dst(%dma_wait3A_134 : memref<128x128xf32, #tpu.memory_space<vmem>>)
    %dma_wait3A_141 = arith.constant 2 : i32
    %dma_wait3A_142 = arith.constant 256 : i32
    %dma_wait3A_143 = arith.constant 0 : i32
    %dma_wait3A_144 = tpu.memref_slice %arg9[%dma_wait3A_142, %dma_wait3A_143] : memref<512x128xf32, #tpu.memory_space<vmem>> -> memref<128x128xf32, #tpu.memory_space<vmem>>
    %dma_wait3A_145 = arith.constant 0 : i32
    %dma_wait3A_146 = tpu.memref_slice %arg8[%dma_wait3A_141, %dma_wait3A_145] : memref<4x128xi32, #tpu.memory_space<vmem>> -> memref<1x128xi32, #tpu.memory_space<vmem>>
    %dma_wait3A_147 = tpu.memref_squeeze %dma_wait3A_146 : memref<1x128xi32, #tpu.memory_space<vmem>> -> memref<128xi32, #tpu.memory_space<vmem>>
    %dma_wait3A_148 = arith.constant 0 : i32
    %dma_wait3A_149 = arith.constant 0 : i32
    %dma_wait3A_150 = tpu.memref_slice %arg5[%dma_wait3A_148, %dma_wait3A_149] : memref<500000x128xf32, #tpu.memory_space<hbm>> -> memref<500000x128xf32, #tpu.memory_space<hbm>>
    tpu.wait_indirect_dma semaphore(%arg10 : memref<!tpu.dma_semaphore, #tpu.memory_space<semaphore_mem>>) src(%dma_wait3A_150 : memref<500000x128xf32, #tpu.memory_space<hbm>>) dst(%dma_wait3A_144 : memref<128x128xf32, #tpu.memory_space<vmem>>)
    %dma_wait3A_151 = arith.constant 3 : i32
    %dma_wait3A_152 = arith.constant 384 : i32
    %dma_wait3A_153 = arith.constant 0 : i32
    %dma_wait3A_154 = tpu.memref_slice %arg9[%dma_wait3A_152, %dma_wait3A_153] : memref<512x128xf32, #tpu.memory_space<vmem>> -> memref<128x128xf32, #tpu.memory_space<vmem>>
    %dma_wait3A_155 = arith.constant 0 : i32
    %dma_wait3A_156 = tpu.memref_slice %arg8[%dma_wait3A_151, %dma_wait3A_155] : memref<4x128xi32, #tpu.memory_space<vmem>> -> memref<1x128xi32, #tpu.memory_space<vmem>>
    %dma_wait3A_157 = tpu.memref_squeeze %dma_wait3A_156 : memref<1x128xi32, #tpu.memory_space<vmem>> -> memref<128xi32, #tpu.memory_space<vmem>>
    %dma_wait3A_158 = arith.constant 0 : i32
    %dma_wait3A_159 = arith.constant 0 : i32
    %dma_wait3A_160 = tpu.memref_slice %arg5[%dma_wait3A_158, %dma_wait3A_159] : memref<500000x128xf32, #tpu.memory_space<hbm>> -> memref<500000x128xf32, #tpu.memory_space<hbm>>
    tpu.wait_indirect_dma semaphore(%arg10 : memref<!tpu.dma_semaphore, #tpu.memory_space<semaphore_mem>>) src(%dma_wait3A_160 : memref<500000x128xf32, #tpu.memory_space<hbm>>) dst(%dma_wait3A_154 : memref<128x128xf32, #tpu.memory_space<vmem>>)
    "tpu.region"() ({
      %run_scoped3A = tpu.sem_alloc : memref<!tpu.dma_semaphore, #tpu.memory_space<semaphore_mem>>
      %dma_start3A_161 = arith.constant 0 : i32
      %dma_start3A_162 = tpu.memref_slice %arg7[%mul3A_2, %dma_start3A_161] : memref<16384x128xf32, #tpu.memory_space<hbm>> -> memref<512x128xf32, #tpu.memory_space<hbm>>
      %dma_start3A_163 = arith.constant 0 : i32
      %dma_start3A_164 = tpu.memref_slice %arg7[%mul3A_2, %dma_start3A_163] : memref<16384x128xf32, #tpu.memory_space<hbm>> -> memref<512x128xf32, #tpu.memory_space<hbm>>
      tpu.enqueue_dma source(%arg9 : memref<512x128xf32, #tpu.memory_space<vmem>>) target(%dma_start3A_164 : memref<512x128xf32, #tpu.memory_space<hbm>>) target_semaphore(%run_scoped3A : memref<!tpu.dma_semaphore, #tpu.memory_space<semaphore_mem>>)
      %dma_wait3A_165 = arith.constant 0 : i32
      %dma_wait3A_166 = tpu.memref_slice %arg7[%mul3A_2, %dma_wait3A_165] : memref<16384x128xf32, #tpu.memory_space<hbm>> -> memref<512x128xf32, #tpu.memory_space<hbm>>
      %dma_wait3A_167 = arith.constant 0 : i32
      %dma_wait3A_168 = tpu.memref_slice %arg7[%mul3A_2, %dma_wait3A_167] : memref<16384x128xf32, #tpu.memory_space<hbm>> -> memref<512x128xf32, #tpu.memory_space<hbm>>
      tpu.wait_dma2 semaphore(%run_scoped3A : memref<!tpu.dma_semaphore, #tpu.memory_space<semaphore_mem>>) src(%arg9 : memref<512x128xf32, #tpu.memory_space<vmem>>) dst(%dma_wait3A_168 : memref<512x128xf32, #tpu.memory_space<hbm>>)
      tpu.yield
    }) : () -> ()
    return
  }
}

#map = affine_map<(d0, d1) -> (0, 0, 0)>
#map1 = affine_map<(d0, d1) -> (0)>
module attributes {stable_mosaic.version = 14 : i64} {
  func.func @_sc_lin_body(%arg0: i32, %arg1: i32, %arg2: memref<32x4x128xi32, #tpu.memory_space<hbm>>, %arg3: memref<32x4x128xi32, #tpu.memory_space<hbm>>, %arg4: memref<1000000xf32, #tpu.memory_space<hbm>>, %arg5: memref<1000000xf32, #tpu.memory_space<hbm>>, %arg6: memref<16384xf32, #tpu.memory_space<hbm>>, %arg7: memref<16384xf32, #tpu.memory_space<hbm>>, %arg8: memref<4x128xi32, #tpu.memory_space<vmem>>, %arg9: memref<512xf32, #tpu.memory_space<vmem>>, %arg10: memref<512xf32, #tpu.memory_space<vmem>>, %arg11: memref<!tpu.dma_semaphore, #tpu.memory_space<semaphore_mem>>) attributes {dimension_semantics = [#tpu.dimension_semantics<core_parallel>, #tpu.dimension_semantics<subcore_parallel>], iteration_bounds = array<i64: 2, 16>, scalar_prefetch = 0 : i64, scratch_operands = 4 : i64, tpu.core_type = #tpu.core_type<sc_vector_subcore>, window_params = [{transform_indices = #map}, {transform_indices = #map}, {transform_indices = #map1}, {transform_indices = #map1}, {transform_indices = #map1}, {transform_indices = #map1}]} {
    %mul3A = arith.constant 2 : i32
    %mul3A_0 = arith.muli %arg1, %mul3A : i32
    %add3A = arith.addi %mul3A_0, %arg0 : i32
    %mul3A_1 = arith.constant 512 : i32
    %mul3A_2 = arith.muli %add3A, %mul3A_1 : i32
    "tpu.region"() ({
      %run_scoped3A = tpu.sem_alloc : memref<!tpu.dma_semaphore, #tpu.memory_space<semaphore_mem>>
      %dma_start3A_129 = arith.constant 0 : i32
      %dma_start3A_130 = arith.constant 0 : i32
      %dma_start3A_131 = tpu.memref_slice %arg2[%add3A, %dma_start3A_129, %dma_start3A_130] : memref<32x4x128xi32, #tpu.memory_space<hbm>> -> memref<1x4x128xi32, #tpu.memory_space<hbm>>
      %dma_start3A_132 = tpu.memref_squeeze %dma_start3A_131 : memref<1x4x128xi32, #tpu.memory_space<hbm>> -> memref<4x128xi32, #tpu.memory_space<hbm>>
      %dma_start3A_133 = arith.constant 0 : i32
      %dma_start3A_134 = arith.constant 0 : i32
      %dma_start3A_135 = tpu.memref_slice %arg2[%add3A, %dma_start3A_133, %dma_start3A_134] : memref<32x4x128xi32, #tpu.memory_space<hbm>> -> memref<1x4x128xi32, #tpu.memory_space<hbm>>
      %dma_start3A_136 = tpu.memref_squeeze %dma_start3A_135 : memref<1x4x128xi32, #tpu.memory_space<hbm>> -> memref<4x128xi32, #tpu.memory_space<hbm>>
      tpu.enqueue_dma source(%dma_start3A_136 : memref<4x128xi32, #tpu.memory_space<hbm>>) target(%arg8 : memref<4x128xi32, #tpu.memory_space<vmem>>) target_semaphore(%run_scoped3A : memref<!tpu.dma_semaphore, #tpu.memory_space<semaphore_mem>>)
      %dma_wait3A_137 = arith.constant 0 : i32
      %dma_wait3A_138 = arith.constant 0 : i32
      %dma_wait3A_139 = tpu.memref_slice %arg2[%add3A, %dma_wait3A_137, %dma_wait3A_138] : memref<32x4x128xi32, #tpu.memory_space<hbm>> -> memref<1x4x128xi32, #tpu.memory_space<hbm>>
      %dma_wait3A_140 = tpu.memref_squeeze %dma_wait3A_139 : memref<1x4x128xi32, #tpu.memory_space<hbm>> -> memref<4x128xi32, #tpu.memory_space<hbm>>
      %dma_wait3A_141 = arith.constant 0 : i32
      %dma_wait3A_142 = arith.constant 0 : i32
      %dma_wait3A_143 = tpu.memref_slice %arg2[%add3A, %dma_wait3A_141, %dma_wait3A_142] : memref<32x4x128xi32, #tpu.memory_space<hbm>> -> memref<1x4x128xi32, #tpu.memory_space<hbm>>
      %dma_wait3A_144 = tpu.memref_squeeze %dma_wait3A_143 : memref<1x4x128xi32, #tpu.memory_space<hbm>> -> memref<4x128xi32, #tpu.memory_space<hbm>>
      tpu.wait_dma2 semaphore(%run_scoped3A : memref<!tpu.dma_semaphore, #tpu.memory_space<semaphore_mem>>) src(%dma_wait3A_144 : memref<4x128xi32, #tpu.memory_space<hbm>>) dst(%arg8 : memref<4x128xi32, #tpu.memory_space<vmem>>)
      tpu.yield
    }) : () -> ()
    %dma_start3A = arith.constant 0 : i32
    %dma_start3A_3 = arith.constant 0 : i32
    %dma_start3A_4 = tpu.memref_slice %arg9[%dma_start3A_3] : memref<512xf32, #tpu.memory_space<vmem>> -> memref<128xf32, #tpu.memory_space<vmem>>
    %dma_start3A_5 = arith.constant 0 : i32
    %dma_start3A_6 = tpu.memref_slice %arg8[%dma_start3A, %dma_start3A_5] : memref<4x128xi32, #tpu.memory_space<vmem>> -> memref<1x128xi32, #tpu.memory_space<vmem>>
    %dma_start3A_7 = tpu.memref_squeeze %dma_start3A_6 : memref<1x128xi32, #tpu.memory_space<vmem>> -> memref<128xi32, #tpu.memory_space<vmem>>
    %dma_start3A_8 = arith.constant 0 : i32
    %dma_start3A_9 = tpu.memref_slice %arg4[%dma_start3A_8] : memref<1000000xf32, #tpu.memory_space<hbm>> -> memref<1000000xf32, #tpu.memory_space<hbm>>
    tpu.enqueue_indirect_dma source(%dma_start3A_9 : memref<1000000xf32, #tpu.memory_space<hbm>>) target(%dma_start3A_4 : memref<128xf32, #tpu.memory_space<vmem>>) offsets(%dma_start3A_7 : memref<128xi32, #tpu.memory_space<vmem>>) semaphore(%arg11 : memref<!tpu.dma_semaphore, #tpu.memory_space<semaphore_mem>>)
    %dma_start3A_10 = arith.constant 1 : i32
    %dma_start3A_11 = arith.constant 128 : i32
    %dma_start3A_12 = tpu.memref_slice %arg9[%dma_start3A_11] : memref<512xf32, #tpu.memory_space<vmem>> -> memref<128xf32, #tpu.memory_space<vmem>>
    %dma_start3A_13 = arith.constant 0 : i32
    %dma_start3A_14 = tpu.memref_slice %arg8[%dma_start3A_10, %dma_start3A_13] : memref<4x128xi32, #tpu.memory_space<vmem>> -> memref<1x128xi32, #tpu.memory_space<vmem>>
    %dma_start3A_15 = tpu.memref_squeeze %dma_start3A_14 : memref<1x128xi32, #tpu.memory_space<vmem>> -> memref<128xi32, #tpu.memory_space<vmem>>
    %dma_start3A_16 = arith.constant 0 : i32
    %dma_start3A_17 = tpu.memref_slice %arg4[%dma_start3A_16] : memref<1000000xf32, #tpu.memory_space<hbm>> -> memref<1000000xf32, #tpu.memory_space<hbm>>
    tpu.enqueue_indirect_dma source(%dma_start3A_17 : memref<1000000xf32, #tpu.memory_space<hbm>>) target(%dma_start3A_12 : memref<128xf32, #tpu.memory_space<vmem>>) offsets(%dma_start3A_15 : memref<128xi32, #tpu.memory_space<vmem>>) semaphore(%arg11 : memref<!tpu.dma_semaphore, #tpu.memory_space<semaphore_mem>>)
    %dma_start3A_18 = arith.constant 2 : i32
    %dma_start3A_19 = arith.constant 256 : i32
    %dma_start3A_20 = tpu.memref_slice %arg9[%dma_start3A_19] : memref<512xf32, #tpu.memory_space<vmem>> -> memref<128xf32, #tpu.memory_space<vmem>>
    %dma_start3A_21 = arith.constant 0 : i32
    %dma_start3A_22 = tpu.memref_slice %arg8[%dma_start3A_18, %dma_start3A_21] : memref<4x128xi32, #tpu.memory_space<vmem>> -> memref<1x128xi32, #tpu.memory_space<vmem>>
    %dma_start3A_23 = tpu.memref_squeeze %dma_start3A_22 : memref<1x128xi32, #tpu.memory_space<vmem>> -> memref<128xi32, #tpu.memory_space<vmem>>
    %dma_start3A_24 = arith.constant 0 : i32
    %dma_start3A_25 = tpu.memref_slice %arg4[%dma_start3A_24] : memref<1000000xf32, #tpu.memory_space<hbm>> -> memref<1000000xf32, #tpu.memory_space<hbm>>
    tpu.enqueue_indirect_dma source(%dma_start3A_25 : memref<1000000xf32, #tpu.memory_space<hbm>>) target(%dma_start3A_20 : memref<128xf32, #tpu.memory_space<vmem>>) offsets(%dma_start3A_23 : memref<128xi32, #tpu.memory_space<vmem>>) semaphore(%arg11 : memref<!tpu.dma_semaphore, #tpu.memory_space<semaphore_mem>>)
    %dma_start3A_26 = arith.constant 3 : i32
    %dma_start3A_27 = arith.constant 384 : i32
    %dma_start3A_28 = tpu.memref_slice %arg9[%dma_start3A_27] : memref<512xf32, #tpu.memory_space<vmem>> -> memref<128xf32, #tpu.memory_space<vmem>>
    %dma_start3A_29 = arith.constant 0 : i32
    %dma_start3A_30 = tpu.memref_slice %arg8[%dma_start3A_26, %dma_start3A_29] : memref<4x128xi32, #tpu.memory_space<vmem>> -> memref<1x128xi32, #tpu.memory_space<vmem>>
    %dma_start3A_31 = tpu.memref_squeeze %dma_start3A_30 : memref<1x128xi32, #tpu.memory_space<vmem>> -> memref<128xi32, #tpu.memory_space<vmem>>
    %dma_start3A_32 = arith.constant 0 : i32
    %dma_start3A_33 = tpu.memref_slice %arg4[%dma_start3A_32] : memref<1000000xf32, #tpu.memory_space<hbm>> -> memref<1000000xf32, #tpu.memory_space<hbm>>
    tpu.enqueue_indirect_dma source(%dma_start3A_33 : memref<1000000xf32, #tpu.memory_space<hbm>>) target(%dma_start3A_28 : memref<128xf32, #tpu.memory_space<vmem>>) offsets(%dma_start3A_31 : memref<128xi32, #tpu.memory_space<vmem>>) semaphore(%arg11 : memref<!tpu.dma_semaphore, #tpu.memory_space<semaphore_mem>>)
    %dma_wait3A = arith.constant 0 : i32
    %dma_wait3A_34 = arith.constant 0 : i32
    %dma_wait3A_35 = tpu.memref_slice %arg9[%dma_wait3A_34] : memref<512xf32, #tpu.memory_space<vmem>> -> memref<128xf32, #tpu.memory_space<vmem>>
    %dma_wait3A_36 = arith.constant 0 : i32
    %dma_wait3A_37 = tpu.memref_slice %arg8[%dma_wait3A, %dma_wait3A_36] : memref<4x128xi32, #tpu.memory_space<vmem>> -> memref<1x128xi32, #tpu.memory_space<vmem>>
    %dma_wait3A_38 = tpu.memref_squeeze %dma_wait3A_37 : memref<1x128xi32, #tpu.memory_space<vmem>> -> memref<128xi32, #tpu.memory_space<vmem>>
    %dma_wait3A_39 = arith.constant 0 : i32
    %dma_wait3A_40 = tpu.memref_slice %arg4[%dma_wait3A_39] : memref<1000000xf32, #tpu.memory_space<hbm>> -> memref<1000000xf32, #tpu.memory_space<hbm>>
    tpu.wait_indirect_dma semaphore(%arg11 : memref<!tpu.dma_semaphore, #tpu.memory_space<semaphore_mem>>) src(%dma_wait3A_40 : memref<1000000xf32, #tpu.memory_space<hbm>>) dst(%dma_wait3A_35 : memref<128xf32, #tpu.memory_space<vmem>>)
    %dma_wait3A_41 = arith.constant 1 : i32
    %dma_wait3A_42 = arith.constant 128 : i32
    %dma_wait3A_43 = tpu.memref_slice %arg9[%dma_wait3A_42] : memref<512xf32, #tpu.memory_space<vmem>> -> memref<128xf32, #tpu.memory_space<vmem>>
    %dma_wait3A_44 = arith.constant 0 : i32
    %dma_wait3A_45 = tpu.memref_slice %arg8[%dma_wait3A_41, %dma_wait3A_44] : memref<4x128xi32, #tpu.memory_space<vmem>> -> memref<1x128xi32, #tpu.memory_space<vmem>>
    %dma_wait3A_46 = tpu.memref_squeeze %dma_wait3A_45 : memref<1x128xi32, #tpu.memory_space<vmem>> -> memref<128xi32, #tpu.memory_space<vmem>>
    %dma_wait3A_47 = arith.constant 0 : i32
    %dma_wait3A_48 = tpu.memref_slice %arg4[%dma_wait3A_47] : memref<1000000xf32, #tpu.memory_space<hbm>> -> memref<1000000xf32, #tpu.memory_space<hbm>>
    tpu.wait_indirect_dma semaphore(%arg11 : memref<!tpu.dma_semaphore, #tpu.memory_space<semaphore_mem>>) src(%dma_wait3A_48 : memref<1000000xf32, #tpu.memory_space<hbm>>) dst(%dma_wait3A_43 : memref<128xf32, #tpu.memory_space<vmem>>)
    %dma_wait3A_49 = arith.constant 2 : i32
    %dma_wait3A_50 = arith.constant 256 : i32
    %dma_wait3A_51 = tpu.memref_slice %arg9[%dma_wait3A_50] : memref<512xf32, #tpu.memory_space<vmem>> -> memref<128xf32, #tpu.memory_space<vmem>>
    %dma_wait3A_52 = arith.constant 0 : i32
    %dma_wait3A_53 = tpu.memref_slice %arg8[%dma_wait3A_49, %dma_wait3A_52] : memref<4x128xi32, #tpu.memory_space<vmem>> -> memref<1x128xi32, #tpu.memory_space<vmem>>
    %dma_wait3A_54 = tpu.memref_squeeze %dma_wait3A_53 : memref<1x128xi32, #tpu.memory_space<vmem>> -> memref<128xi32, #tpu.memory_space<vmem>>
    %dma_wait3A_55 = arith.constant 0 : i32
    %dma_wait3A_56 = tpu.memref_slice %arg4[%dma_wait3A_55] : memref<1000000xf32, #tpu.memory_space<hbm>> -> memref<1000000xf32, #tpu.memory_space<hbm>>
    tpu.wait_indirect_dma semaphore(%arg11 : memref<!tpu.dma_semaphore, #tpu.memory_space<semaphore_mem>>) src(%dma_wait3A_56 : memref<1000000xf32, #tpu.memory_space<hbm>>) dst(%dma_wait3A_51 : memref<128xf32, #tpu.memory_space<vmem>>)
    %dma_wait3A_57 = arith.constant 3 : i32
    %dma_wait3A_58 = arith.constant 384 : i32
    %dma_wait3A_59 = tpu.memref_slice %arg9[%dma_wait3A_58] : memref<512xf32, #tpu.memory_space<vmem>> -> memref<128xf32, #tpu.memory_space<vmem>>
    %dma_wait3A_60 = arith.constant 0 : i32
    %dma_wait3A_61 = tpu.memref_slice %arg8[%dma_wait3A_57, %dma_wait3A_60] : memref<4x128xi32, #tpu.memory_space<vmem>> -> memref<1x128xi32, #tpu.memory_space<vmem>>
    %dma_wait3A_62 = tpu.memref_squeeze %dma_wait3A_61 : memref<1x128xi32, #tpu.memory_space<vmem>> -> memref<128xi32, #tpu.memory_space<vmem>>
    %dma_wait3A_63 = arith.constant 0 : i32
    %dma_wait3A_64 = tpu.memref_slice %arg4[%dma_wait3A_63] : memref<1000000xf32, #tpu.memory_space<hbm>> -> memref<1000000xf32, #tpu.memory_space<hbm>>
    tpu.wait_indirect_dma semaphore(%arg11 : memref<!tpu.dma_semaphore, #tpu.memory_space<semaphore_mem>>) src(%dma_wait3A_64 : memref<1000000xf32, #tpu.memory_space<hbm>>) dst(%dma_wait3A_59 : memref<128xf32, #tpu.memory_space<vmem>>)
    "tpu.region"() ({
      %run_scoped3A = tpu.sem_alloc : memref<!tpu.dma_semaphore, #tpu.memory_space<semaphore_mem>>
      %dma_start3A_129 = arith.constant 0 : i32
      %dma_start3A_130 = arith.constant 0 : i32
      %dma_start3A_131 = tpu.memref_slice %arg3[%add3A, %dma_start3A_129, %dma_start3A_130] : memref<32x4x128xi32, #tpu.memory_space<hbm>> -> memref<1x4x128xi32, #tpu.memory_space<hbm>>
      %dma_start3A_132 = tpu.memref_squeeze %dma_start3A_131 : memref<1x4x128xi32, #tpu.memory_space<hbm>> -> memref<4x128xi32, #tpu.memory_space<hbm>>
      %dma_start3A_133 = arith.constant 0 : i32
      %dma_start3A_134 = arith.constant 0 : i32
      %dma_start3A_135 = tpu.memref_slice %arg3[%add3A, %dma_start3A_133, %dma_start3A_134] : memref<32x4x128xi32, #tpu.memory_space<hbm>> -> memref<1x4x128xi32, #tpu.memory_space<hbm>>
      %dma_start3A_136 = tpu.memref_squeeze %dma_start3A_135 : memref<1x4x128xi32, #tpu.memory_space<hbm>> -> memref<4x128xi32, #tpu.memory_space<hbm>>
      tpu.enqueue_dma source(%dma_start3A_136 : memref<4x128xi32, #tpu.memory_space<hbm>>) target(%arg8 : memref<4x128xi32, #tpu.memory_space<vmem>>) target_semaphore(%run_scoped3A : memref<!tpu.dma_semaphore, #tpu.memory_space<semaphore_mem>>)
      %dma_wait3A_137 = arith.constant 0 : i32
      %dma_wait3A_138 = arith.constant 0 : i32
      %dma_wait3A_139 = tpu.memref_slice %arg3[%add3A, %dma_wait3A_137, %dma_wait3A_138] : memref<32x4x128xi32, #tpu.memory_space<hbm>> -> memref<1x4x128xi32, #tpu.memory_space<hbm>>
      %dma_wait3A_140 = tpu.memref_squeeze %dma_wait3A_139 : memref<1x4x128xi32, #tpu.memory_space<hbm>> -> memref<4x128xi32, #tpu.memory_space<hbm>>
      %dma_wait3A_141 = arith.constant 0 : i32
      %dma_wait3A_142 = arith.constant 0 : i32
      %dma_wait3A_143 = tpu.memref_slice %arg3[%add3A, %dma_wait3A_141, %dma_wait3A_142] : memref<32x4x128xi32, #tpu.memory_space<hbm>> -> memref<1x4x128xi32, #tpu.memory_space<hbm>>
      %dma_wait3A_144 = tpu.memref_squeeze %dma_wait3A_143 : memref<1x4x128xi32, #tpu.memory_space<hbm>> -> memref<4x128xi32, #tpu.memory_space<hbm>>
      tpu.wait_dma2 semaphore(%run_scoped3A : memref<!tpu.dma_semaphore, #tpu.memory_space<semaphore_mem>>) src(%dma_wait3A_144 : memref<4x128xi32, #tpu.memory_space<hbm>>) dst(%arg8 : memref<4x128xi32, #tpu.memory_space<vmem>>)
      tpu.yield
    }) : () -> ()
    %dma_start3A_65 = arith.constant 0 : i32
    %dma_start3A_66 = arith.constant 0 : i32
    %dma_start3A_67 = tpu.memref_slice %arg10[%dma_start3A_66] : memref<512xf32, #tpu.memory_space<vmem>> -> memref<128xf32, #tpu.memory_space<vmem>>
    %dma_start3A_68 = arith.constant 0 : i32
    %dma_start3A_69 = tpu.memref_slice %arg8[%dma_start3A_65, %dma_start3A_68] : memref<4x128xi32, #tpu.memory_space<vmem>> -> memref<1x128xi32, #tpu.memory_space<vmem>>
    %dma_start3A_70 = tpu.memref_squeeze %dma_start3A_69 : memref<1x128xi32, #tpu.memory_space<vmem>> -> memref<128xi32, #tpu.memory_space<vmem>>
    %dma_start3A_71 = arith.constant 0 : i32
    %dma_start3A_72 = tpu.memref_slice %arg5[%dma_start3A_71] : memref<1000000xf32, #tpu.memory_space<hbm>> -> memref<1000000xf32, #tpu.memory_space<hbm>>
    tpu.enqueue_indirect_dma source(%dma_start3A_72 : memref<1000000xf32, #tpu.memory_space<hbm>>) target(%dma_start3A_67 : memref<128xf32, #tpu.memory_space<vmem>>) offsets(%dma_start3A_70 : memref<128xi32, #tpu.memory_space<vmem>>) semaphore(%arg11 : memref<!tpu.dma_semaphore, #tpu.memory_space<semaphore_mem>>)
    %dma_start3A_73 = arith.constant 1 : i32
    %dma_start3A_74 = arith.constant 128 : i32
    %dma_start3A_75 = tpu.memref_slice %arg10[%dma_start3A_74] : memref<512xf32, #tpu.memory_space<vmem>> -> memref<128xf32, #tpu.memory_space<vmem>>
    %dma_start3A_76 = arith.constant 0 : i32
    %dma_start3A_77 = tpu.memref_slice %arg8[%dma_start3A_73, %dma_start3A_76] : memref<4x128xi32, #tpu.memory_space<vmem>> -> memref<1x128xi32, #tpu.memory_space<vmem>>
    %dma_start3A_78 = tpu.memref_squeeze %dma_start3A_77 : memref<1x128xi32, #tpu.memory_space<vmem>> -> memref<128xi32, #tpu.memory_space<vmem>>
    %dma_start3A_79 = arith.constant 0 : i32
    %dma_start3A_80 = tpu.memref_slice %arg5[%dma_start3A_79] : memref<1000000xf32, #tpu.memory_space<hbm>> -> memref<1000000xf32, #tpu.memory_space<hbm>>
    tpu.enqueue_indirect_dma source(%dma_start3A_80 : memref<1000000xf32, #tpu.memory_space<hbm>>) target(%dma_start3A_75 : memref<128xf32, #tpu.memory_space<vmem>>) offsets(%dma_start3A_78 : memref<128xi32, #tpu.memory_space<vmem>>) semaphore(%arg11 : memref<!tpu.dma_semaphore, #tpu.memory_space<semaphore_mem>>)
    %dma_start3A_81 = arith.constant 2 : i32
    %dma_start3A_82 = arith.constant 256 : i32
    %dma_start3A_83 = tpu.memref_slice %arg10[%dma_start3A_82] : memref<512xf32, #tpu.memory_space<vmem>> -> memref<128xf32, #tpu.memory_space<vmem>>
    %dma_start3A_84 = arith.constant 0 : i32
    %dma_start3A_85 = tpu.memref_slice %arg8[%dma_start3A_81, %dma_start3A_84] : memref<4x128xi32, #tpu.memory_space<vmem>> -> memref<1x128xi32, #tpu.memory_space<vmem>>
    %dma_start3A_86 = tpu.memref_squeeze %dma_start3A_85 : memref<1x128xi32, #tpu.memory_space<vmem>> -> memref<128xi32, #tpu.memory_space<vmem>>
    %dma_start3A_87 = arith.constant 0 : i32
    %dma_start3A_88 = tpu.memref_slice %arg5[%dma_start3A_87] : memref<1000000xf32, #tpu.memory_space<hbm>> -> memref<1000000xf32, #tpu.memory_space<hbm>>
    tpu.enqueue_indirect_dma source(%dma_start3A_88 : memref<1000000xf32, #tpu.memory_space<hbm>>) target(%dma_start3A_83 : memref<128xf32, #tpu.memory_space<vmem>>) offsets(%dma_start3A_86 : memref<128xi32, #tpu.memory_space<vmem>>) semaphore(%arg11 : memref<!tpu.dma_semaphore, #tpu.memory_space<semaphore_mem>>)
    %dma_start3A_89 = arith.constant 3 : i32
    %dma_start3A_90 = arith.constant 384 : i32
    %dma_start3A_91 = tpu.memref_slice %arg10[%dma_start3A_90] : memref<512xf32, #tpu.memory_space<vmem>> -> memref<128xf32, #tpu.memory_space<vmem>>
    %dma_start3A_92 = arith.constant 0 : i32
    %dma_start3A_93 = tpu.memref_slice %arg8[%dma_start3A_89, %dma_start3A_92] : memref<4x128xi32, #tpu.memory_space<vmem>> -> memref<1x128xi32, #tpu.memory_space<vmem>>
    %dma_start3A_94 = tpu.memref_squeeze %dma_start3A_93 : memref<1x128xi32, #tpu.memory_space<vmem>> -> memref<128xi32, #tpu.memory_space<vmem>>
    %dma_start3A_95 = arith.constant 0 : i32
    %dma_start3A_96 = tpu.memref_slice %arg5[%dma_start3A_95] : memref<1000000xf32, #tpu.memory_space<hbm>> -> memref<1000000xf32, #tpu.memory_space<hbm>>
    tpu.enqueue_indirect_dma source(%dma_start3A_96 : memref<1000000xf32, #tpu.memory_space<hbm>>) target(%dma_start3A_91 : memref<128xf32, #tpu.memory_space<vmem>>) offsets(%dma_start3A_94 : memref<128xi32, #tpu.memory_space<vmem>>) semaphore(%arg11 : memref<!tpu.dma_semaphore, #tpu.memory_space<semaphore_mem>>)
    %dma_wait3A_97 = arith.constant 0 : i32
    %dma_wait3A_98 = arith.constant 0 : i32
    %dma_wait3A_99 = tpu.memref_slice %arg10[%dma_wait3A_98] : memref<512xf32, #tpu.memory_space<vmem>> -> memref<128xf32, #tpu.memory_space<vmem>>
    %dma_wait3A_100 = arith.constant 0 : i32
    %dma_wait3A_101 = tpu.memref_slice %arg8[%dma_wait3A_97, %dma_wait3A_100] : memref<4x128xi32, #tpu.memory_space<vmem>> -> memref<1x128xi32, #tpu.memory_space<vmem>>
    %dma_wait3A_102 = tpu.memref_squeeze %dma_wait3A_101 : memref<1x128xi32, #tpu.memory_space<vmem>> -> memref<128xi32, #tpu.memory_space<vmem>>
    %dma_wait3A_103 = arith.constant 0 : i32
    %dma_wait3A_104 = tpu.memref_slice %arg5[%dma_wait3A_103] : memref<1000000xf32, #tpu.memory_space<hbm>> -> memref<1000000xf32, #tpu.memory_space<hbm>>
    tpu.wait_indirect_dma semaphore(%arg11 : memref<!tpu.dma_semaphore, #tpu.memory_space<semaphore_mem>>) src(%dma_wait3A_104 : memref<1000000xf32, #tpu.memory_space<hbm>>) dst(%dma_wait3A_99 : memref<128xf32, #tpu.memory_space<vmem>>)
    %dma_wait3A_105 = arith.constant 1 : i32
    %dma_wait3A_106 = arith.constant 128 : i32
    %dma_wait3A_107 = tpu.memref_slice %arg10[%dma_wait3A_106] : memref<512xf32, #tpu.memory_space<vmem>> -> memref<128xf32, #tpu.memory_space<vmem>>
    %dma_wait3A_108 = arith.constant 0 : i32
    %dma_wait3A_109 = tpu.memref_slice %arg8[%dma_wait3A_105, %dma_wait3A_108] : memref<4x128xi32, #tpu.memory_space<vmem>> -> memref<1x128xi32, #tpu.memory_space<vmem>>
    %dma_wait3A_110 = tpu.memref_squeeze %dma_wait3A_109 : memref<1x128xi32, #tpu.memory_space<vmem>> -> memref<128xi32, #tpu.memory_space<vmem>>
    %dma_wait3A_111 = arith.constant 0 : i32
    %dma_wait3A_112 = tpu.memref_slice %arg5[%dma_wait3A_111] : memref<1000000xf32, #tpu.memory_space<hbm>> -> memref<1000000xf32, #tpu.memory_space<hbm>>
    tpu.wait_indirect_dma semaphore(%arg11 : memref<!tpu.dma_semaphore, #tpu.memory_space<semaphore_mem>>) src(%dma_wait3A_112 : memref<1000000xf32, #tpu.memory_space<hbm>>) dst(%dma_wait3A_107 : memref<128xf32, #tpu.memory_space<vmem>>)
    %dma_wait3A_113 = arith.constant 2 : i32
    %dma_wait3A_114 = arith.constant 256 : i32
    %dma_wait3A_115 = tpu.memref_slice %arg10[%dma_wait3A_114] : memref<512xf32, #tpu.memory_space<vmem>> -> memref<128xf32, #tpu.memory_space<vmem>>
    %dma_wait3A_116 = arith.constant 0 : i32
    %dma_wait3A_117 = tpu.memref_slice %arg8[%dma_wait3A_113, %dma_wait3A_116] : memref<4x128xi32, #tpu.memory_space<vmem>> -> memref<1x128xi32, #tpu.memory_space<vmem>>
    %dma_wait3A_118 = tpu.memref_squeeze %dma_wait3A_117 : memref<1x128xi32, #tpu.memory_space<vmem>> -> memref<128xi32, #tpu.memory_space<vmem>>
    %dma_wait3A_119 = arith.constant 0 : i32
    %dma_wait3A_120 = tpu.memref_slice %arg5[%dma_wait3A_119] : memref<1000000xf32, #tpu.memory_space<hbm>> -> memref<1000000xf32, #tpu.memory_space<hbm>>
    tpu.wait_indirect_dma semaphore(%arg11 : memref<!tpu.dma_semaphore, #tpu.memory_space<semaphore_mem>>) src(%dma_wait3A_120 : memref<1000000xf32, #tpu.memory_space<hbm>>) dst(%dma_wait3A_115 : memref<128xf32, #tpu.memory_space<vmem>>)
    %dma_wait3A_121 = arith.constant 3 : i32
    %dma_wait3A_122 = arith.constant 384 : i32
    %dma_wait3A_123 = tpu.memref_slice %arg10[%dma_wait3A_122] : memref<512xf32, #tpu.memory_space<vmem>> -> memref<128xf32, #tpu.memory_space<vmem>>
    %dma_wait3A_124 = arith.constant 0 : i32
    %dma_wait3A_125 = tpu.memref_slice %arg8[%dma_wait3A_121, %dma_wait3A_124] : memref<4x128xi32, #tpu.memory_space<vmem>> -> memref<1x128xi32, #tpu.memory_space<vmem>>
    %dma_wait3A_126 = tpu.memref_squeeze %dma_wait3A_125 : memref<1x128xi32, #tpu.memory_space<vmem>> -> memref<128xi32, #tpu.memory_space<vmem>>
    %dma_wait3A_127 = arith.constant 0 : i32
    %dma_wait3A_128 = tpu.memref_slice %arg5[%dma_wait3A_127] : memref<1000000xf32, #tpu.memory_space<hbm>> -> memref<1000000xf32, #tpu.memory_space<hbm>>
    tpu.wait_indirect_dma semaphore(%arg11 : memref<!tpu.dma_semaphore, #tpu.memory_space<semaphore_mem>>) src(%dma_wait3A_128 : memref<1000000xf32, #tpu.memory_space<hbm>>) dst(%dma_wait3A_123 : memref<128xf32, #tpu.memory_space<vmem>>)
    "tpu.region"() ({
      %run_scoped3A = tpu.sem_alloc : memref<!tpu.dma_semaphore, #tpu.memory_space<semaphore_mem>>
      %dma_start3A_129 = tpu.memref_slice %arg6[%mul3A_2] : memref<16384xf32, #tpu.memory_space<hbm>> -> memref<512xf32, #tpu.memory_space<hbm>>
      %dma_start3A_130 = tpu.memref_slice %arg6[%mul3A_2] : memref<16384xf32, #tpu.memory_space<hbm>> -> memref<512xf32, #tpu.memory_space<hbm>>
      tpu.enqueue_dma source(%arg9 : memref<512xf32, #tpu.memory_space<vmem>>) target(%dma_start3A_130 : memref<512xf32, #tpu.memory_space<hbm>>) target_semaphore(%run_scoped3A : memref<!tpu.dma_semaphore, #tpu.memory_space<semaphore_mem>>)
      %dma_wait3A_131 = tpu.memref_slice %arg6[%mul3A_2] : memref<16384xf32, #tpu.memory_space<hbm>> -> memref<512xf32, #tpu.memory_space<hbm>>
      %dma_wait3A_132 = tpu.memref_slice %arg6[%mul3A_2] : memref<16384xf32, #tpu.memory_space<hbm>> -> memref<512xf32, #tpu.memory_space<hbm>>
      tpu.wait_dma2 semaphore(%run_scoped3A : memref<!tpu.dma_semaphore, #tpu.memory_space<semaphore_mem>>) src(%arg9 : memref<512xf32, #tpu.memory_space<vmem>>) dst(%dma_wait3A_132 : memref<512xf32, #tpu.memory_space<hbm>>)
      tpu.yield
    }) : () -> ()
    "tpu.region"() ({
      %run_scoped3A = tpu.sem_alloc : memref<!tpu.dma_semaphore, #tpu.memory_space<semaphore_mem>>
      %dma_start3A_129 = tpu.memref_slice %arg7[%mul3A_2] : memref<16384xf32, #tpu.memory_space<hbm>> -> memref<512xf32, #tpu.memory_space<hbm>>
      %dma_start3A_130 = tpu.memref_slice %arg7[%mul3A_2] : memref<16384xf32, #tpu.memory_space<hbm>> -> memref<512xf32, #tpu.memory_space<hbm>>
      tpu.enqueue_dma source(%arg10 : memref<512xf32, #tpu.memory_space<vmem>>) target(%dma_start3A_130 : memref<512xf32, #tpu.memory_space<hbm>>) target_semaphore(%run_scoped3A : memref<!tpu.dma_semaphore, #tpu.memory_space<semaphore_mem>>)
      %dma_wait3A_131 = tpu.memref_slice %arg7[%mul3A_2] : memref<16384xf32, #tpu.memory_space<hbm>> -> memref<512xf32, #tpu.memory_space<hbm>>
      %dma_wait3A_132 = tpu.memref_slice %arg7[%mul3A_2] : memref<16384xf32, #tpu.memory_space<hbm>> -> memref<512xf32, #tpu.memory_space<hbm>>
      tpu.wait_dma2 semaphore(%run_scoped3A : memref<!tpu.dma_semaphore, #tpu.memory_space<semaphore_mem>>) src(%arg10 : memref<512xf32, #tpu.memory_space<vmem>>) dst(%dma_wait3A_132 : memref<512xf32, #tpu.memory_space<hbm>>)
      tpu.yield
    }) : () -> ()
    return
  }
}

module attributes {stable_mosaic.version = 14 : i64} {
  func.func @_tc_mlp1_body(%arg0: i32, %arg1: memref<2048x64xf32, #tpu.memory_space<vmem>>, %arg2: memref<2048x64xf32, #tpu.memory_space<vmem>>, %arg3: memref<2048x1xf32, #tpu.memory_space<vmem>>, %arg4: memref<2048x1xf32, #tpu.memory_space<vmem>>, %arg5: memref<1x1xf32, #tpu.memory_space<vmem>>, %arg6: memref<64x128xf32, #tpu.memory_space<vmem>>, %arg7: memref<64x128xf32, #tpu.memory_space<vmem>>, %arg8: memref<1x128xf32, #tpu.memory_space<vmem>>, %arg9: memref<2048x128xf32, #tpu.memory_space<vmem>>, %arg10: memref<2048x1xf32, #tpu.memory_space<vmem>>, %arg11: memref<2x128xf32, #tpu.memory_space<vmem>>) attributes {dimension_semantics = [#tpu.dimension_semantics<arbitrary>], iteration_bounds = array<i64: 8>, scalar_prefetch = 0 : i64, scratch_operands = 0 : i64, tpu.core_type = #tpu.core_type<tc>, window_params = [{transform_indices = @transform_0, window_bounds = array<i64: 2048, 64>}, {transform_indices = @transform_1, window_bounds = array<i64: 2048, 64>}, {transform_indices = @transform_2, window_bounds = array<i64: 2048, 1>}, {transform_indices = @transform_3, window_bounds = array<i64: 2048, 1>}, {pipeline_mode = #tpu.pipeline_mode<synchronous>, transform_indices = @transform_4, window_bounds = array<i64: 1, 1>}, {pipeline_mode = #tpu.pipeline_mode<synchronous>, transform_indices = @transform_5, window_bounds = array<i64: 64, 128>}, {pipeline_mode = #tpu.pipeline_mode<synchronous>, transform_indices = @transform_6, window_bounds = array<i64: 64, 128>}, {pipeline_mode = #tpu.pipeline_mode<synchronous>, transform_indices = @transform_7, window_bounds = array<i64: 1, 128>}, {transform_indices = @transform_8, window_bounds = array<i64: 2048, 128>}, {transform_indices = @transform_9, window_bounds = array<i64: 2048, 1>}, {pipeline_mode = #tpu.pipeline_mode<synchronous>, transform_indices = @transform_10, window_bounds = array<i64: 2, 128>}]} {
    %get3A = arith.constant 0 : index
    %get3A_0 = arith.constant 0 : index
    %get3A_1 = vector.load %arg1[%get3A, %get3A_0] : memref<2048x64xf32, #tpu.memory_space<vmem>>, vector<2048x64xf32>
    %get3A_2 = arith.constant 0 : index
    %get3A_3 = arith.constant 0 : index
    %get3A_4 = vector.load %arg2[%get3A_2, %get3A_3] : memref<2048x64xf32, #tpu.memory_space<vmem>>, vector<2048x64xf32>
    %mul3A = arith.mulf %get3A_1, %get3A_4 : vector<2048x64xf32>
    %reduce_sum3A = arith.constant dense<0.000000e+00> : vector<2048xf32>
    %reduce_sum3A_5 = vector.multi_reduction <add>, %mul3A, %reduce_sum3A [1] : vector<2048x64xf32> to vector<2048xf32>
    %broadcast_in_dim3A = vector.shape_cast %reduce_sum3A_5 : vector<2048xf32> to vector<2048x1xf32>
    %get3A_6 = arith.constant 0 : index
    %get3A_7 = arith.constant 0 : index
    %get3A_8 = vector.load %arg3[%get3A_6, %get3A_7] : memref<2048x1xf32, #tpu.memory_space<vmem>>, vector<2048x1xf32>
    %add3A = arith.addf %broadcast_in_dim3A, %get3A_8 : vector<2048x1xf32>
    %get3A_9 = arith.constant 0 : index
    %get3A_10 = arith.constant 0 : index
    %get3A_11 = vector.load %arg4[%get3A_9, %get3A_10] : memref<2048x1xf32, #tpu.memory_space<vmem>>, vector<2048x1xf32>
    %add3A_12 = arith.addf %add3A, %get3A_11 : vector<2048x1xf32>
    %get3A_13 = arith.constant 0 : index
    %get3A_14 = arith.constant 0 : index
    %get3A_15 = vector.load %arg5[%get3A_13, %get3A_14] : memref<1x1xf32, #tpu.memory_space<vmem>>, vector<1x1xf32>
    %get3A_16 = vector.extract %get3A_15[0, 0] : f32 from vector<1x1xf32>
    %add3A_17 = vector.broadcast %get3A_16 : f32 to vector<2048x1xf32>
    %add3A_18 = arith.addf %add3A_12, %add3A_17 : vector<2048x1xf32>
    %swap3A = arith.constant 0 : index
    %swap3A_19 = arith.constant 0 : index
    %swap3A_20 = vector.load %arg10[%swap3A, %swap3A_19] : memref<2048x1xf32, #tpu.memory_space<vmem>>, vector<2048x1xf32>
    tpu.vector_store %arg10[%swap3A, %swap3A_19], %add3A_18 {strides = array<i32>} : memref<2048x1xf32, #tpu.memory_space<vmem>>, vector<2048x1xf32>,
    %get3A_21 = arith.constant 0 : index
    %get3A_22 = arith.constant 0 : index
    %get3A_23 = vector.load %arg6[%get3A_21, %get3A_22] : memref<64x128xf32, #tpu.memory_space<vmem>>, vector<64x128xf32>
    %dot_general3A = arith.constant dense<0.000000e+00> : vector<2048x128xf32>
    %dot_general3A_24 = tpu.matmul %get3A_1, %get3A_23, %dot_general3A {dimension_numbers = #tpu.dot_dimension_numbers<[1], [0], [0], [1], [0, 0, 1, 1], [], []>, transpose_lhs_hint = false} : vector<2048x64xf32>, vector<64x128xf32>, vector<2048x128xf32> -> vector<2048x128xf32>
    %get3A_25 = arith.constant 0 : index
    %get3A_26 = arith.constant 0 : index
    %get3A_27 = vector.load %arg7[%get3A_25, %get3A_26] : memref<64x128xf32, #tpu.memory_space<vmem>>, vector<64x128xf32>
    %dot_general3A_28 = arith.constant dense<0.000000e+00> : vector<2048x128xf32>
    %dot_general3A_29 = tpu.matmul %get3A_4, %get3A_27, %dot_general3A_28 {dimension_numbers = #tpu.dot_dimension_numbers<[1], [0], [0], [1], [0, 0, 1, 1], [], []>, transpose_lhs_hint = false} : vector<2048x64xf32>, vector<64x128xf32>, vector<2048x128xf32> -> vector<2048x128xf32>
    %add3A_30 = arith.addf %dot_general3A_24, %dot_general3A_29 : vector<2048x128xf32>
    %get3A_31 = arith.constant 0 : index
    %get3A_32 = arith.constant 0 : index
    %get3A_33 = vector.load %arg8[%get3A_31, %get3A_32] : memref<1x128xf32, #tpu.memory_space<vmem>>, vector<1x128xf32>
    %add3A_34 = vector.broadcast %get3A_33 : vector<1x128xf32> to vector<2048x128xf32>
    %add3A_35 = arith.addf %add3A_30, %add3A_34 : vector<2048x128xf32>
    %swap3A_36 = arith.constant 0 : index
    %swap3A_37 = arith.constant 0 : index
    %swap3A_38 = vector.load %arg9[%swap3A_36, %swap3A_37] : memref<2048x128xf32, #tpu.memory_space<vmem>>, vector<2048x128xf32>
    tpu.vector_store %arg9[%swap3A_36, %swap3A_37], %add3A_35 {strides = array<i32>} : memref<2048x128xf32, #tpu.memory_space<vmem>>, vector<2048x128xf32>,
    %eq3A = arith.constant 0 : i32
    %eq3A_39 = arith.cmpi eq, %arg0, %eq3A : i32
    %convert_element_type3A = arith.extui %eq3A_39 : i1 to i32
    %cond3A = arith.constant 0 : i32
    %cond3A_40 = arith.cmpi ne, %convert_element_type3A, %cond3A : i32
    scf.if %cond3A_40 {
      %broadcast_in_dim3A_62 = arith.constant 0.000000e+00 : f32
      %broadcast_in_dim3A_63 = vector.broadcast %broadcast_in_dim3A_62 : f32 to vector<2x128xf32>
      %swap3A_64 = arith.constant 0 : index
      %swap3A_65 = arith.constant 0 : index
      %swap3A_66 = vector.load %arg11[%swap3A_64, %swap3A_65] : memref<2x128xf32, #tpu.memory_space<vmem>>, vector<2x128xf32>
      tpu.vector_store %arg11[%swap3A_64, %swap3A_65], %broadcast_in_dim3A_63 {strides = array<i32>} : memref<2x128xf32, #tpu.memory_space<vmem>>, vector<2x128xf32>,
    } else {
    }
    %get3A_41 = arith.constant 0 : index
    %get3A_42 = arith.constant 0 : index
    %get3A_43 = vector.load %arg11[%get3A_41, %get3A_42] : memref<2x128xf32, #tpu.memory_space<vmem>>, vector<1x128xf32>
    %reduce_sum3A_44 = arith.constant dense<0.000000e+00> : vector<128xf32>
    %reduce_sum3A_45 = vector.multi_reduction <add>, %add3A_35, %reduce_sum3A_44 [0] : vector<2048x128xf32> to vector<128xf32>
    %broadcast_in_dim3A_46 = vector.shape_cast %reduce_sum3A_45 : vector<128xf32> to vector<1x128xf32>
    %add3A_47 = arith.addf %get3A_43, %broadcast_in_dim3A_46 : vector<1x128xf32>
    %swap3A_48 = arith.constant 0 : index
    %swap3A_49 = arith.constant 0 : index
    %swap3A_50 = vector.load %arg11[%swap3A_48, %swap3A_49] : memref<2x128xf32, #tpu.memory_space<vmem>>, vector<1x128xf32>
    tpu.vector_store %arg11[%swap3A_48, %swap3A_49], %add3A_47 {strides = array<i32>} : memref<2x128xf32, #tpu.memory_space<vmem>>, vector<1x128xf32>,
    %get3A_51 = arith.constant 1 : index
    %get3A_52 = arith.constant 0 : index
    %get3A_53 = vector.load %arg11[%get3A_51, %get3A_52] : memref<2x128xf32, #tpu.memory_space<vmem>>, vector<1x128xf32>
    %mul3A_54 = arith.mulf %add3A_35, %add3A_35 : vector<2048x128xf32>
    %reduce_sum3A_55 = arith.constant dense<0.000000e+00> : vector<128xf32>
    %reduce_sum3A_56 = vector.multi_reduction <add>, %mul3A_54, %reduce_sum3A_55 [0] : vector<2048x128xf32> to vector<128xf32>
    %broadcast_in_dim3A_57 = vector.shape_cast %reduce_sum3A_56 : vector<128xf32> to vector<1x128xf32>
    %add3A_58 = arith.addf %get3A_53, %broadcast_in_dim3A_57 : vector<1x128xf32>
    %swap3A_59 = arith.constant 1 : index
    %swap3A_60 = arith.constant 0 : index
    %swap3A_61 = vector.load %arg11[%swap3A_59, %swap3A_60] : memref<2x128xf32, #tpu.memory_space<vmem>>, vector<1x128xf32>
    tpu.vector_store %arg11[%swap3A_59, %swap3A_60], %add3A_58 {strides = array<i32>} : memref<2x128xf32, #tpu.memory_space<vmem>>, vector<1x128xf32>,
    return
  }
  func.func @transform_0(%arg0: i32) -> (i32, i32) {
    %c0_i32 = arith.constant 0 : i32
    %c0_i32_0 = arith.constant 0 : i32
    return %arg0, %c0_i32 : i32, i32
  }
  func.func @transform_1(%arg0: i32) -> (i32, i32) {
    %c0_i32 = arith.constant 0 : i32
    %c0_i32_0 = arith.constant 0 : i32
    return %arg0, %c0_i32 : i32, i32
  }
  func.func @transform_2(%arg0: i32) -> (i32, i32) {
    %c0_i32 = arith.constant 0 : i32
    %c0_i32_0 = arith.constant 0 : i32
    return %arg0, %c0_i32 : i32, i32
  }
  func.func @transform_3(%arg0: i32) -> (i32, i32) {
    %c0_i32 = arith.constant 0 : i32
    %c0_i32_0 = arith.constant 0 : i32
    return %arg0, %c0_i32 : i32, i32
  }
  func.func @transform_4(%arg0: i32) -> (i32, i32) {
    %c0_i32 = arith.constant 0 : i32
    %c0_i32_0 = arith.constant 0 : i32
    %c0_i32_1 = arith.constant 0 : i32
    return %c0_i32, %c0_i32_0 : i32, i32
  }
  func.func @transform_5(%arg0: i32) -> (i32, i32) {
    %c0_i32 = arith.constant 0 : i32
    %c0_i32_0 = arith.constant 0 : i32
    %c0_i32_1 = arith.constant 0 : i32
    return %c0_i32, %c0_i32_0 : i32, i32
  }
  func.func @transform_6(%arg0: i32) -> (i32, i32) {
    %c0_i32 = arith.constant 0 : i32
    %c0_i32_0 = arith.constant 0 : i32
    %c0_i32_1 = arith.constant 0 : i32
    return %c0_i32, %c0_i32_0 : i32, i32
  }
  func.func @transform_7(%arg0: i32) -> (i32, i32) {
    %c0_i32 = arith.constant 0 : i32
    %c0_i32_0 = arith.constant 0 : i32
    %c0_i32_1 = arith.constant 0 : i32
    return %c0_i32, %c0_i32_0 : i32, i32
  }
  func.func @transform_8(%arg0: i32) -> (i32, i32) {
    %c0_i32 = arith.constant 0 : i32
    %c0_i32_0 = arith.constant 0 : i32
    return %arg0, %c0_i32 : i32, i32
  }
  func.func @transform_9(%arg0: i32) -> (i32, i32) {
    %c0_i32 = arith.constant 0 : i32
    %c0_i32_0 = arith.constant 0 : i32
    return %arg0, %c0_i32 : i32, i32
  }
  func.func @transform_10(%arg0: i32) -> (i32, i32) {
    %c0_i32 = arith.constant 0 : i32
    %c0_i32_0 = arith.constant 0 : i32
    %c0_i32_1 = arith.constant 0 : i32
    return %c0_i32, %c0_i32_0 : i32, i32
  }
}

module attributes {stable_mosaic.version = 14 : i64} {
  func.func @_tc_mlp2_body(%arg0: memref<16384x128xf32, #tpu.memory_space<vmem>>, %arg1: memref<2x128xf32, #tpu.memory_space<vmem>>, %arg2: memref<16384x1xf32, #tpu.memory_space<vmem>>, %arg3: memref<1x128xf32, #tpu.memory_space<vmem>>, %arg4: memref<1x128xf32, #tpu.memory_space<vmem>>, %arg5: memref<128x64xf32, #tpu.memory_space<vmem>>, %arg6: memref<1x64xf32, #tpu.memory_space<vmem>>, %arg7: memref<1x64xf32, #tpu.memory_space<vmem>>, %arg8: memref<1x64xf32, #tpu.memory_space<vmem>>, %arg9: memref<1x64xf32, #tpu.memory_space<vmem>>, %arg10: memref<1x1xf32, #tpu.memory_space<vmem>>, %arg11: memref<16384x1xf32, #tpu.memory_space<vmem>>) attributes {dimension_semantics = [], scalar_prefetch = 0 : i64, scratch_operands = 0 : i64, tpu.core_type = #tpu.core_type<tc>} {
    %get3A = arith.constant 0 : index
    %get3A_0 = arith.constant 0 : index
    %get3A_1 = vector.load %arg0[%get3A, %get3A_0] : memref<16384x128xf32, #tpu.memory_space<vmem>>, vector<16384x128xf32>
    %get3A_2 = arith.constant 0 : index
    %get3A_3 = arith.constant 0 : index
    %get3A_4 = vector.load %arg1[%get3A_2, %get3A_3] : memref<2x128xf32, #tpu.memory_space<vmem>>, vector<1x128xf32>
    %mul3A = arith.constant 6.10351563E-5 : f32
    %mul3A_5 = vector.broadcast %mul3A : f32 to vector<1x128xf32>
    %mul3A_6 = arith.mulf %get3A_4, %mul3A_5 : vector<1x128xf32>
    %get3A_7 = arith.constant 1 : index
    %get3A_8 = arith.constant 0 : index
    %get3A_9 = vector.load %arg1[%get3A_7, %get3A_8] : memref<2x128xf32, #tpu.memory_space<vmem>>, vector<1x128xf32>
    %mul3A_10 = arith.constant 6.10351563E-5 : f32
    %mul3A_11 = vector.broadcast %mul3A_10 : f32 to vector<1x128xf32>
    %mul3A_12 = arith.mulf %get3A_9, %mul3A_11 : vector<1x128xf32>
    %mul3A_13 = arith.mulf %mul3A_6, %mul3A_6 : vector<1x128xf32>
    %sub3A = arith.subf %mul3A_12, %mul3A_13 : vector<1x128xf32>
    %get3A_14 = arith.constant 0 : index
    %get3A_15 = arith.constant 0 : index
    %get3A_16 = vector.load %arg3[%get3A_14, %get3A_15] : memref<1x128xf32, #tpu.memory_space<vmem>>, vector<1x128xf32>
    %sub3A_17 = vector.broadcast %mul3A_6 : vector<1x128xf32> to vector<16384x128xf32>
    %sub3A_18 = arith.subf %get3A_1, %sub3A_17 : vector<16384x128xf32>
    %mul3A_19 = vector.broadcast %get3A_16 : vector<1x128xf32> to vector<16384x128xf32>
    %mul3A_20 = arith.mulf %mul3A_19, %sub3A_18 : vector<16384x128xf32>
    %add3A = arith.constant 9.99999974E-6 : f32
    %add3A_21 = vector.broadcast %add3A : f32 to vector<1x128xf32>
    %add3A_22 = arith.addf %sub3A, %add3A_21 : vector<1x128xf32>
    %rsqrt3A = math.rsqrt %add3A_22 : vector<1x128xf32>
    %mul3A_23 = vector.broadcast %rsqrt3A : vector<1x128xf32> to vector<16384x128xf32>
    %mul3A_24 = arith.mulf %mul3A_20, %mul3A_23 : vector<16384x128xf32>
    %get3A_25 = arith.constant 0 : index
    %get3A_26 = arith.constant 0 : index
    %get3A_27 = vector.load %arg4[%get3A_25, %get3A_26] : memref<1x128xf32, #tpu.memory_space<vmem>>, vector<1x128xf32>
    %add3A_28 = vector.broadcast %get3A_27 : vector<1x128xf32> to vector<16384x128xf32>
    %add3A_29 = arith.addf %mul3A_24, %add3A_28 : vector<16384x128xf32>
    %max3A = arith.constant 0.000000e+00 : f32
    %max3A_30 = vector.broadcast %max3A : f32 to vector<16384x128xf32>
    %max3A_31 = arith.maximumf %add3A_29, %max3A_30 : vector<16384x128xf32>
    %get3A_32 = arith.constant 0 : index
    %get3A_33 = arith.constant 0 : index
    %get3A_34 = vector.load %arg5[%get3A_32, %get3A_33] : memref<128x64xf32, #tpu.memory_space<vmem>>, vector<128x64xf32>
    %dot_general3A = arith.constant dense<0.000000e+00> : vector<16384x64xf32>
    %dot_general3A_35 = tpu.matmul %max3A_31, %get3A_34, %dot_general3A {dimension_numbers = #tpu.dot_dimension_numbers<[1], [0], [0], [1], [0, 0, 1, 1], [], []>, transpose_lhs_hint = false} : vector<16384x128xf32>, vector<128x64xf32>, vector<16384x64xf32> -> vector<16384x64xf32>
    %get3A_36 = arith.constant 0 : index
    %get3A_37 = arith.constant 0 : index
    %get3A_38 = vector.load %arg6[%get3A_36, %get3A_37] : memref<1x64xf32, #tpu.memory_space<vmem>>, vector<1x64xf32>
    %add3A_39 = vector.broadcast %get3A_38 : vector<1x64xf32> to vector<16384x64xf32>
    %add3A_40 = arith.addf %dot_general3A_35, %add3A_39 : vector<16384x64xf32>
    %reduce_sum3A = arith.constant dense<0.000000e+00> : vector<64xf32>
    %reduce_sum3A_41 = vector.multi_reduction <add>, %add3A_40, %reduce_sum3A [0] : vector<16384x64xf32> to vector<64xf32>
    %broadcast_in_dim3A = vector.shape_cast %reduce_sum3A_41 : vector<64xf32> to vector<1x64xf32>
    %div3A = arith.constant 1.638400e+04 : f32
    %div3A_42 = vector.broadcast %div3A : f32 to vector<1x64xf32>
    %div3A_43 = arith.divf %broadcast_in_dim3A, %div3A_42 : vector<1x64xf32>
    %sub3A_44 = vector.broadcast %div3A_43 : vector<1x64xf32> to vector<16384x64xf32>
    %sub3A_45 = arith.subf %add3A_40, %sub3A_44 : vector<16384x64xf32>
    %sub3A_46 = vector.broadcast %div3A_43 : vector<1x64xf32> to vector<16384x64xf32>
    %sub3A_47 = arith.subf %add3A_40, %sub3A_46 : vector<16384x64xf32>
    %mul3A_48 = arith.mulf %sub3A_45, %sub3A_47 : vector<16384x64xf32>
    %reduce_sum3A_49 = arith.constant dense<0.000000e+00> : vector<64xf32>
    %reduce_sum3A_50 = vector.multi_reduction <add>, %mul3A_48, %reduce_sum3A_49 [0] : vector<16384x64xf32> to vector<64xf32>
    %broadcast_in_dim3A_51 = vector.shape_cast %reduce_sum3A_50 : vector<64xf32> to vector<1x64xf32>
    %div3A_52 = arith.constant 1.638400e+04 : f32
    %div3A_53 = vector.broadcast %div3A_52 : f32 to vector<1x64xf32>
    %div3A_54 = arith.divf %broadcast_in_dim3A_51, %div3A_53 : vector<1x64xf32>
    %get3A_55 = arith.constant 0 : index
    %get3A_56 = arith.constant 0 : index
    %get3A_57 = vector.load %arg7[%get3A_55, %get3A_56] : memref<1x64xf32, #tpu.memory_space<vmem>>, vector<1x64xf32>
    %sub3A_58 = vector.broadcast %div3A_43 : vector<1x64xf32> to vector<16384x64xf32>
    %sub3A_59 = arith.subf %add3A_40, %sub3A_58 : vector<16384x64xf32>
    %mul3A_60 = vector.broadcast %get3A_57 : vector<1x64xf32> to vector<16384x64xf32>
    %mul3A_61 = arith.mulf %mul3A_60, %sub3A_59 : vector<16384x64xf32>
    %add3A_62 = arith.constant 9.99999974E-6 : f32
    %add3A_63 = vector.broadcast %add3A_62 : f32 to vector<1x64xf32>
    %add3A_64 = arith.addf %div3A_54, %add3A_63 : vector<1x64xf32>
    %rsqrt3A_65 = math.rsqrt %add3A_64 : vector<1x64xf32>
    %mul3A_66 = vector.broadcast %rsqrt3A_65 : vector<1x64xf32> to vector<16384x64xf32>
    %mul3A_67 = arith.mulf %mul3A_61, %mul3A_66 : vector<16384x64xf32>
    %get3A_68 = arith.constant 0 : index
    %get3A_69 = arith.constant 0 : index
    %get3A_70 = vector.load %arg8[%get3A_68, %get3A_69] : memref<1x64xf32, #tpu.memory_space<vmem>>, vector<1x64xf32>
    %add3A_71 = vector.broadcast %get3A_70 : vector<1x64xf32> to vector<16384x64xf32>
    %add3A_72 = arith.addf %mul3A_67, %add3A_71 : vector<16384x64xf32>
    %max3A_73 = arith.constant 0.000000e+00 : f32
    %max3A_74 = vector.broadcast %max3A_73 : f32 to vector<16384x64xf32>
    %max3A_75 = arith.maximumf %add3A_72, %max3A_74 : vector<16384x64xf32>
    %get3A_76 = arith.constant 0 : index
    %get3A_77 = arith.constant 0 : index
    %get3A_78 = vector.load %arg9[%get3A_76, %get3A_77] : memref<1x64xf32, #tpu.memory_space<vmem>>, vector<1x64xf32>
    %mul3A_79 = vector.broadcast %get3A_78 : vector<1x64xf32> to vector<16384x64xf32>
    %mul3A_80 = arith.mulf %max3A_75, %mul3A_79 : vector<16384x64xf32>
    %reduce_sum3A_81 = arith.constant dense<0.000000e+00> : vector<16384xf32>
    %reduce_sum3A_82 = vector.multi_reduction <add>, %mul3A_80, %reduce_sum3A_81 [1] : vector<16384x64xf32> to vector<16384xf32>
    %broadcast_in_dim3A_83 = vector.shape_cast %reduce_sum3A_82 : vector<16384xf32> to vector<16384x1xf32>
    %get3A_84 = arith.constant 0 : index
    %get3A_85 = arith.constant 0 : index
    %get3A_86 = vector.load %arg10[%get3A_84, %get3A_85] : memref<1x1xf32, #tpu.memory_space<vmem>>, vector<1x1xf32>
    %get3A_87 = vector.extract %get3A_86[0, 0] : f32 from vector<1x1xf32>
    %add3A_88 = vector.broadcast %get3A_87 : f32 to vector<16384x1xf32>
    %add3A_89 = arith.addf %broadcast_in_dim3A_83, %add3A_88 : vector<16384x1xf32>
    %get3A_90 = arith.constant 0 : index
    %get3A_91 = arith.constant 0 : index
    %get3A_92 = vector.load %arg2[%get3A_90, %get3A_91] : memref<16384x1xf32, #tpu.memory_space<vmem>>, vector<16384x1xf32>
    %add3A_93 = arith.addf %get3A_92, %add3A_89 : vector<16384x1xf32>
    %logistic3A = arith.negf %add3A_93 : vector<16384x1xf32>
    %logistic3A_94 = math.exp %logistic3A : vector<16384x1xf32>
    %logistic3A_95 = arith.constant 1.000000e+00 : f32
    %logistic3A_96 = vector.broadcast %logistic3A_95 : f32 to vector<16384x1xf32>
    %logistic3A_97 = arith.addf %logistic3A_96, %logistic3A_94 : vector<16384x1xf32>
    %logistic3A_98 = arith.divf %logistic3A_96, %logistic3A_97 : vector<16384x1xf32>
    %swap3A = arith.constant 0 : index
    %swap3A_99 = arith.constant 0 : index
    %swap3A_100 = vector.load %arg11[%swap3A, %swap3A_99] : memref<16384x1xf32, #tpu.memory_space<vmem>>, vector<16384x1xf32>
    tpu.vector_store %arg11[%swap3A, %swap3A_99], %logistic3A_98 {strides = array<i32>} : memref<16384x1xf32, #tpu.memory_space<vmem>>, vector<16384x1xf32>,
    return
  }
}

</mosaic_0001>

<sc_bundles>
// kernel: kernel.6.cloned.1.call-start
scs
__scs_entry_jumppad:
0x0: {  	(pc) =	sbr.rel $0x88, $3  }
0x1: {  	(tag) =	ssettag $0x0;
	lr =	simm.s32 $0x1  }
0x2: {  	[smem:$0x3F90] =	sst lr;
	_ =	strace $0xD0000000  }
0x3: {  	_ = 	snop  }
0x4: {  	_ = 	snop  }
0x5: {  	_ = 	snop  }
0x6: {  	_ = 	snop  }
0x7: {  	_ = 	snop  }
__scs_overlays_trampoline_lowered:
0x8: {  	[smem:$0x3F9F] =	sst s0  }
0x9: {  	[smem:$0x3FA0] =	sst s1  }
0xa: {  	[smem:$0x3FA1] =	sst s2  }
0xb: {  	[smem:$0x3FA2] =	sst s3  }
0xc: {  	[smem:$0x3FA3] =	sst s4  }
0xd: {  	[smem:$0x3FA4] =	sst s5  }
0xe: {  	[smem:$0x3FA5] =	sst s6  }
0xf: {  	[smem:$0x3FA6] =	sst s7  }
0x10: {  	[smem:$0x3FA7] =	sst s8  }
0x11: {  	[smem:$0x3FA8] =	sst s9;
	s0 =	simm.s32 @!p0 $0x0  }
0x12: {  	s1 =	sld [smem:$0x3F8E];
	s0 =	simm.s32 @p0 $0x1  }
0x13: {  	[smem:$0x3FA9] =	sst s0;
	s0 =	simm.s32 @!p1 $0x0  }
0x14: {  	s2 =	sld [smem:$0x3F8D];
	s0 =	simm.s32 @p1 $0x1  }
0x15: {  	[smem:$0x3FAA] =	sst s0;
	s0 =	simm.s32 @!p2 $0x0  }
0x16: {  	s3 =	sld [smem:$0x3FDB];
	s0 =	simm.s32 @p2 $0x1  }
0x17: {  	s4 =	simm.s32 $0x1BF5;
	[smem:$0x3FAC] =	sst s0  }
0x18: {  	s0 =	sld [smem:$0x3F8F];
	_ =	swait.ge [sflag:s4], $0x0  }
0x19: {  	s7 =	sld [smem:$0x3F90]  }
0x1a: {  	s8 =	sadd.s32 $0xFFFFE003, lr  }
0x1b: {  	s9 =	sadd.s32 $0xFFFFFEF7, lr;
	s5 =	simm.s32 $0xFFFFFFFF;
	p2 =	slt.u32 s8, $0xFFFFF086  }
0x1c: {  	p1 =	slt.u32 s9, $0xF7A;
	s5 =	simm.s32 @!p2 $0x0  }
0x1d: {  	s5 =	simm.s32 @p1 $0x1;
	p0 =	seq.s32 s7, s2  }
0x1e: {  	s7 =	smul.u32 @!p0 $0xF7A, s2;
	p2 =	seq.s32 @!p0 s5, $0x0  }
0x1f: {  	s9 =	smul.u32 $0xF7A, s1;
	s8 =	simm.s32 @!p0 $0x1BF5;
	p2 =	por !p2, p0  }
0x20: {  	[sflag:s8] =	ssyncset.s32 @!p0 $0xFFFFF086;
	s6 =	sadd.s32 @!p0 s3, s7;
	s7 =	simm.s32 @!p0 $0x108  }
0x21: {  	s3 =	sadd.s32 s3, s9;
	s6 =	sadd.s32 @!p0 $0x88, s6;
	s7 =	simm.s32 @p2 $0x1082  }
0x22: {  	[simem:s7], [sflag:s8] =	dma.local @!p0 [hbm:s6], $0xF7A  }
0x23: {  	s9 =	sor.u32 $0xD0000000, s2;
	s6 =	simm.s32 $0x108;
	_ =	swait.ge @!p0 [sflag:s8], $0x0  }
0x24: {  	s3 =	sadd.s32 $0x88, s3;
	s6 =	simm.s32 @!p1 $0x1082;
	[sflag:s4] =	ssyncset.s32 $0xFFFFF086  }
0x25: {  	[simem:s6], [sflag:s4] =	dma.local [hbm:s3], $0xF7A  }
0x26: {  	[smem:$0x3F90] =	sst s1;
	(tag) =	ssettag s2;
	_ =	strace s9  }
0x27: {  	s1 =	sld [smem:$0x3FA0]  }
0x28: {  	s2 =	sld [smem:$0x3FA1]  }
0x29: {  	s4 =	sld [smem:$0x3FA3]  }
0x2a: {  	p0 =	seq.s32 s5, $0x0;
	s5 =	sld [smem:$0x3FA4]  }
0x2b: {  	s6 =	sld [smem:$0x3FA5]  }
0x2c: {  	s7 =	sld [smem:$0x3FA6]  }
0x2d: {  	s3 =	simm.s32 $0x108;
	s8 =	sld [smem:$0x3FA7]  }
0x2e: {  	s3 =	simm.s32 @!p0 $0x1082;
	s9 =	sld [smem:$0x3FA8]  }
0x2f: {  	lr =	sadd.s32 s0, s3;
	s0 =	sld [smem:$0x3F9F]  }
0x30: {  	s3 =	sld [smem:$0x3FA2]  }
0x31: {  	[smem:$0x3FAB] =	sst s10  }
0x32: {  	s10 =	sld [smem:$0x3FA9];
	_ =	sdelay $0x3  }
0x33: {  	p0 =	seq.s32 s10, $0x1;
	s10 =	sld [smem:$0x3FAB];
	_ =	sdelay $0x3  }
0x34: {  	[smem:$0x3FAB] =	sst s10  }
0x35: {  	s10 =	sld [smem:$0x3FAA];
	_ =	sdelay $0x3  }
0x36: {  	p1 =	seq.s32 s10, $0x1;
	s10 =	sld [smem:$0x3FAB];
	_ =	sdelay $0x3  }
0x37: {  	[smem:$0x3FAB] =	sst s10  }
0x38: {  	s10 =	sld [smem:$0x3FAC]  }
0x39: {  	_ = 	snop;
	(pc) =	sbr.ind lr, $3  }
0x3a: {  	_ = 	snop  }
0x3b: {  	_ = 	snop  }
0x3c: {  	p2 =	seq.s32 s10, $0x1;
	s10 =	sld [smem:$0x3FAB]  }
0x3d: {  	_ =	shalt  }
0x3e: {  	_ =	shalt  }
0x3f: {  	_ =	shalt  }
0x40: {  	_ =	shalt  }
0x41: {  	_ =	shalt  }
0x42: {  	_ =	shalt  }
0x43: {  	_ =	shalt  }
0x44: {  	_ =	shalt  }
0x45: {  	_ =	shalt  }
0x46: {  	_ =	shalt  }
0x47: {  	_ =	shalt  }
0x48: {  	_ =	shalt  }
0x49: {  	_ =	shalt  }
0x4a: {  	_ =	shalt  }
0x4b: {  	_ =	shalt  }
0x4c: {  	_ =	shalt  }
0x4d: {  	_ =	shalt  }
0x4e: {  	_ =	shalt  }
0x4f: {  	_ =	shalt  }
0x50: {  	_ =	shalt  }
0x51: {  	_ =	shalt  }
0x52: {  	_ =	shalt  }
0x53: {  	_ =	shalt  }
0x54: {  	_ =	shalt  }
0x55: {  	_ =	shalt  }
0x56: {  	_ =	shalt  }
0x57: {  	_ =	shalt  }
0x58: {  	_ =	shalt  }
0x59: {  	_ =	shalt  }
0x5a: {  	_ =	shalt  }
0x5b: {  	_ =	shalt  }
0x5c: {  	_ =	shalt  }
0x5d: {  	_ =	shalt  }
0x5e: {  	_ =	shalt  }
0x5f: {  	_ =	shalt  }
0x60: {  	_ =	shalt  }
0x61: {  	_ =	shalt  }
0x62: {  	_ =	shalt  }
0x63: {  	_ =	shalt  }
0x64: {  	_ =	shalt  }
0x65: {  	_ =	shalt  }
0x66: {  	_ =	shalt  }
0x67: {  	_ =	shalt  }
0x68: {  	_ =	shalt  }
0x69: {  	_ =	shalt  }
0x6a: {  	_ =	shalt  }
0x6b: {  	_ =	shalt  }
0x6c: {  	_ =	shalt  }
0x6d: {  	_ =	shalt  }
0x6e: {  	_ =	shalt  }
0x6f: {  	_ =	shalt  }
0x70: {  	_ =	shalt  }
0x71: {  	_ =	shalt  }
0x72: {  	_ =	shalt  }
0x73: {  	_ =	shalt  }
0x74: {  	_ =	shalt  }
0x75: {  	_ =	shalt  }
0x76: {  	_ =	shalt  }
0x77: {  	_ =	shalt  }
0x78: {  	_ =	shalt  }
0x79: {  	_ =	shalt  }
0x7a: {  	_ =	shalt  }
0x7b: {  	_ =	shalt  }
0x7c: {  	_ =	shalt  }
0x7d: {  	_ =	shalt  }
0x7e: {  	_ =	shalt  }
0x7f: {  	_ =	shalt  }
0x80: {  	_ =	shalt  }
0x81: {  	_ =	shalt  }
0x82: {  	_ =	shalt  }
0x83: {  	_ =	shalt  }
0x84: {  	_ =	shalt  }
0x85: {  	_ =	shalt  }
0x86: {  	_ =	shalt  }
0x87: {  	_ =	shalt  }
.Lfunc_end0:
.L_simem_size_0:
called_computation_lowered:
.L_overlay_start_0:
0x88: {  	s2 =	sld [smem:$0x3FD9]  }
0x89: {  	s3 =	sld [smem:$0x3FFE];
	_ =	sdelay $0x1  }
0x8a: {  	s1 =	srdreg.scid  }
0x8b: {  	s0 =	sand.u32 $0x1, s1  }
0x8c: {  	s17 =	sshll.u32 s0, $0xA;
	s2 =	sadd.s32 s3, s2  }
0x8d: {  	s2 =	sadd.s32 s2, s17  }
0x8e: {  	[smem:$0x3FB7] =	sst s2  }
0x8f: {  	_ = 	snop  }
0x90: {  	s2 =	sld [smem:$0x3FC9]  }
0x91: {  	s18 =	sld [smem:$0x3FC8];
	(tm) =	ssettm $0x1  }
0x92: {  	s4 =	sld [smem:$0x3FFB];
	_ =	sdelay $0x3  }
0x93: {  	_ =	strace s4  }
0x94: {  	s4 =	sld [smem:$0x3FFC];
	_ =	sdelay $0x3  }
0x95: {  	_ =	strace s4  }
0x96: {  	s4 =	sld [smem:$0x3FFD];
	_ =	sdelay $0x3  }
0x97: {  	_ =	strace s4  }
0x98: {  	_ =	strace $0x8FFFFFFF  }
0x99: {  	s19 =	sld [smem:$0x3FDB];
	_ =	sdelay $0x1  }
0x9a: {  	s5 =	simm.s32 $_scs_section_size  }
0x9b: {  	s6 =	simm.s32 $_size__tile_overlayer_lowered;
	s7 =	simm.s32 $_tile_overlayer_lowered  }
0x9c: {  	s22 =	simm.s32 $0x1BFF;
	s21 =	sshll.u32 s7, $0x1;
	s4 =	sadd.s32 s5, s19  }
0x9d: {  	s8 =	simm.s32 $0x0;
	s20 =	sshll.u32 s6, $0x1;
	s6 =	sadd.s32 s21, s4  }
0x9e: {  	[timem:s8], [sflag:s22] =	dma.local [hbm:s6], s20  }
0x9f: {  	_ =	swait.ge [sflag:s22], s20  }
0xa0: {  	s5 =	ssub.s32 $0x0, s20;
	[sflag:s22] =	ssyncset.done $0x0  }
0xa1: {  	[sflag:s22] =	ssyncadd.s32 s5;
	_ =	sdelay $0x1  }
0xa2: {  	s23 =	simm.s32 $0x1B8B  }
0xa3: {  	_ =	swait.ge [sflag:s23], $0x1  }
0xa4: {  	[sflag:s23] =	ssyncset.done $0x0  }
0xa5: {  	s25 =	simm.s32 $0x1B8E;
	s24 =	sld [smem:$0x3FFE];
	[sflag:s23] =	ssyncadd.s32 $0xFFFFFFFF  }
0xa6: {  	s26 =	simm.s32 $execute0_lowered;
	[smem:$0x3FD2] =	sst s25  }
0xa7: {  	s6 =	sshll.u32 s26, $0x1;
	_ =	strace $0x80000046;
	[dreg:$0x1] =	wrdreg $0xFFFFFFFF  }
0xa8: {  	s28 =	simm.s32 $_size_execute0_lowered;
	s4 =	sadd.s32 s4, s6;
	[dreg:$0x0] =	wrdreg $0x0  }
0xa9: {  	s6 =	sshll.u32 s28, $0x1;
	[dreg:$0x2] =	wrdreg s4  }
0xaa: {  	[dreg:$0x3] =	wrdreg s6  }
0xab: {  	[dreg:$0x4] =	wrdreg $0xC0  }
0xac: {  	_ =	task [dreg:s8], $0x5FFFF  }
0xad: {  	[dreg:$0x1] =	wrdreg $0xFFFFFFFF  }
0xae: {  	[dreg:$0x0] =	wrdreg $0x60  }
0xaf: {  	[dreg:$0x2] =	wrdreg s2  }
0xb0: {  	[dreg:$0x3] =	wrdreg s18  }
0xb1: {  	[dreg:$0x4] =	wrdreg s24  }
0xb2: {  	[dreg:$0x5] =	wrdreg $0x9  }
0xb3: {  	_ =	task.clear_ibuf [dreg:s8], $0x6FFFF;
	_ =	strace $0x90000046  }
0xb4: {  	s29 =	simm.s32 $0x9;
	_ =	strace $0x80000048  }
0xb5: {  	_ =	swait.ge [sflag:s29], $0x1  }
0xb6: {  	[sflag:s29] =	ssyncadd.s32 $0xFFFFFFFF  }
0xb7: {  	_ =	strace $0x90000048  }
0xb8: {  	_ =	sfence  }
0xb9: {  	s30 =	sld [smem:$0x0];
	_ =	sdelay $0x2  }
0xba: {  	s31 =	sshll.u32 s1, $0xD;
	s1 =	sshrl.u32 s1, $0x2  }
0xbb: {  	s3 =	sand.u32 $0x4000, s31;
	s1 =	sadd.s32 s1, s30  }
0xbc: {  	s0 =	sor.u32 s3, s0;
	s1 =	sshll.u32 s1, $0x11  }
0xbd: {  	s0 =	sor.u32 s1, s0  }
0xbe: {  	s0 =	sadd.s32 $0x8F2B, s0  }
0xbf: {  	[sflag:s0] =	ssyncadd.remote.s32 $0x1  }
0xc0: {  	_ =	sfence.sel $0xFFFF  }
0xc1: {  	[dreg:$0x0] =	wrdreg $0xFFFFFFFF;
	(pc) =	sbr.abs _section_cstart, $3  }
0xc2: {  	[dreg:$0x1] =	wrdreg $0xFFFFFFFF  }
0xc3: {  	_ =	task.clear_ibuf [dreg:s8], $0x2FFFF;
	_ =	strace $0x9FFFFFFF  }
0xc4: {  	(tm) =	ssettm $0x7FFFFFFF  }
0xc5: {  	_ =	shalt  }
tec
execute0_lowered:
.L_overlay_start_1:
0x0: {  	(tag) =	ssettag $0x1  }
0x1: {  	s3 =	rddreg [dreg:$0x0]  }
0x2: {  	s14 =	rddreg [dreg:$0x1]  }
0x3: {  	s20 =	rddreg [dreg:$0x2];
	s2 =	srdreg.scid  }
0x4: {  	s0 =	rddreg [dreg:$0x3];
	s1 =	stileid.u32;
	s21 =	sand.u32 $0x1, s2  }
0x5: {  	s2 =	simm.s32 $0x0;
	s4 =	sshll.u32 s1, $0x7;
	s5 =	sshll.u32 s21, $0x6  }
0x6: {  	[smem:$0x7FF] =	sst s2;
	s22 =	sor.u32 s5, s4  }
0x7: {  	_ =	strace $0x80000047;
	s4 =	sadd.s32 s3, s22;
	s3 =	simm.s32 $0x2  }
0x8: {  	[tilespmem:s2], [sflag:$0x2] =	stream.linear.gather [hbm4b:s4+s2], $0x200, $0x38;
	[tilespmem:$0x600] =	vst v63  }
0x9: {  	_ =	swait.ge [sflag:s3], $0x200  }
0xa: {  	s6 =	simm.s32 $0x80;
	[sflag:s3] =	ssyncset.done $0x0  }
0xb: {  	s7 =	simm.s32 $0x200;
	s5 =	sadd.s32 $0x20800, s20;
	[sflag:s3] =	ssyncadd.s32 $0xFFFFFE00  }
0xc: {  	[tilespmem:s7], [sflag:$0x1] =	stream.indirect.gather [hbm4b:s5+s6], $0x1, s2, s6, $0xb8;
	[tilespmem:$0x600] =	vst v63  }
0xd: {  	s8 =	simm.s32 $0x280  }
0xe: {  	[tilespmem:s8], [sflag:$0x1] =	stream.indirect.gather [hbm4b:s5+s6], $0x1, s6, s6, $0xb8;
	[tilespmem:$0x600] =	vst v63  }
0xf: {  	s9 =	simm.s32 $0x100;
	s10 =	simm.s32 $0x300  }
0x10: {  	[tilespmem:s10], [sflag:$0x1] =	stream.indirect.gather [hbm4b:s5+s6], $0x1, s9, s6, $0xb8;
	[tilespmem:$0x600] =	vst v63  }
0x11: {  	s11 =	simm.s32 $0x180;
	s12 =	simm.s32 $0x380;
	s13 =	simm.s32 $0x1  }
0x12: {  	[tilespmem:s12], [sflag:$0x1] =	stream.indirect.gather [hbm4b:s5+s6], $0x1, s11, s6, $0xb8;
	[tilespmem:$0x600] =	vst v63  }
0x13: {  	_ =	swait.ge [sflag:s13], $0x80  }
0x14: {  	[sflag:s13] =	ssyncset.done $0x0  }
0x15: {  	[sflag:s13] =	ssyncadd.s32 $0xFFFFFF80  }
0x16: {  	_ =	swait.ge [sflag:s13], $0x80  }
0x17: {  	[sflag:s13] =	ssyncset.done $0x0  }
0x18: {  	[sflag:s13] =	ssyncadd.s32 $0xFFFFFF80  }
0x19: {  	_ =	swait.ge [sflag:s13], $0x80  }
0x1a: {  	[sflag:s13] =	ssyncset.done $0x0  }
0x1b: {  	[sflag:s13] =	ssyncadd.s32 $0xFFFFFF80  }
0x1c: {  	_ =	swait.ge [sflag:s13], $0x80  }
0x1d: {  	[sflag:s13] =	ssyncset.done $0x0  }
0x1e: {  	s14 =	sadd.s32 s14, s22;
	[sflag:s13] =	ssyncadd.s32 $0xFFFFFF80  }
0x1f: {  	[tilespmem:s2], [sflag:$0x2] =	stream.linear.gather [hbm4b:s14+s2], $0x200, $0x38;
	[tilespmem:$0x600] =	vst v63  }
0x20: {  	_ =	swait.ge [sflag:s3], $0x200  }
0x21: {  	[sflag:s3] =	ssyncset.done $0x0  }
0x22: {  	s16 =	simm.s32 $0x400;
	s15 =	sadd.s32 $0x1E00, s20;
	[sflag:s3] =	ssyncadd.s32 $0xFFFFFE00  }
0x23: {  	[tilespmem:s16], [sflag:$0x1] =	stream.indirect.gather [hbm4b:s15+s6], $0x1, s2, s6, $0xb8;
	[tilespmem:$0x600] =	vst v63  }
0x24: {  	s17 =	simm.s32 $0x480  }
0x25: {  	[tilespmem:s17], [sflag:$0x1] =	stream.indirect.gather [hbm4b:s15+s6], $0x1, s6, s6, $0xb8;
	[tilespmem:$0x600] =	vst v63  }
0x26: {  	s18 =	simm.s32 $0x500  }
0x27: {  	[tilespmem:s18], [sflag:$0x1] =	stream.indirect.gather [hbm4b:s15+s6], $0x1, s9, s6, $0xb8;
	[tilespmem:$0x600] =	vst v63  }
0x28: {  	s19 =	simm.s32 $0x580  }
0x29: {  	[tilespmem:s19], [sflag:$0x1] =	stream.indirect.gather [hbm4b:s15+s6], $0x1, s11, s6, $0xb8;
	[tilespmem:$0x600] =	vst v63  }
0x2a: {  	_ =	swait.ge [sflag:s13], $0x80  }
0x2b: {  	[sflag:s13] =	ssyncset.done $0x0  }
0x2c: {  	[sflag:s13] =	ssyncadd.s32 $0xFFFFFF80  }
0x2d: {  	_ =	swait.ge [sflag:s13], $0x80  }
0x2e: {  	[sflag:s13] =	ssyncset.done $0x0  }
0x2f: {  	[sflag:s13] =	ssyncadd.s32 $0xFFFFFF80  }
0x30: {  	_ =	swait.ge [sflag:s13], $0x80  }
0x31: {  	[sflag:s13] =	ssyncset.done $0x0  }
0x32: {  	s21 =	ssub.s32 $0x2, s21;
	[sflag:s13] =	ssyncadd.s32 $0xFFFFFF80  }
0x33: {  	s23 =	sshrl.u32 s21, $0x1;
	_ =	swait.ge [sflag:s13], $0x80  }
0x34: {  	s22 =	sadd.s32 s22, s20;
	s23 =	ssub.s32 s21, s23;
	[sflag:s13] =	ssyncset.done $0x0  }
0x35: {  	s20 =	sadd.s32 $0x3FA00, s22;
	s31 =	smax.u32 s23, $0x1;
	[sflag:s13] =	ssyncadd.s32 $0xFFFFFF80  }
0x36: {  	[hbm4b:s20+s2] =	stream.linear.scatter [tilespmem:s7], [sflag:$0x2], $0x200, $0x38;
	[tilespmem:$0x600] =	vst v63  }
0x37: {  	p0 =	sne.s32 s31, $0x1;
	_ =	swait.ge [sflag:s3], $0x200  }
.Ltmp0:
0x38: {  	[sflag:s3] =	ssyncset.done $0x0;
	(pc) =	sbr.rel @!p0 .LBB2_2-.Ltmp0, $4  }
0x39: {  	s21 =	sadd.s32 $0x3F200, s22;
	[sflag:s3] =	ssyncadd.s32 $0xFFFFFE00  }
0x3a: {  	[hbm4b:s21+s2] =	stream.linear.scatter [tilespmem:s16], [sflag:$0x2], $0x200, $0x38;
	[tilespmem:$0x600] =	vst v63  }
0x3b: {  	_ =	swait.ge [sflag:s3], $0x200  }
0x3c: {  	s22 =	sadd.s32 $0xFFFFFFFF, s31;
	[sflag:s3] =	ssyncset.done $0x0  }
.LBB2_1:
0x3d: {  	p0 =	sne.s32 s22, $0x1;
	s22 =	sadd.s32 $0xFFFFFFFF, s22;
	[sflag:s3] =	ssyncadd.s32 $0xFFFFFE00  }
0x3e: {  	[tilespmem:s2], [sflag:$0x2] =	stream.linear.gather [hbm4b:s4+s2], $0x200, $0x38;
	[tilespmem:$0x600] =	vst v63  }
0x3f: {  	_ =	swait.ge [sflag:s3], $0x200  }
0x40: {  	[sflag:s3] =	ssyncset.done $0x0  }
0x41: {  	[sflag:s3] =	ssyncadd.s32 $0xFFFFFE00  }
0x42: {  	[tilespmem:s7], [sflag:$0x1] =	stream.indirect.gather [hbm4b:s5+s6], $0x1, s2, s6, $0xb8;
	[tilespmem:$0x600] =	vst v63  }
0x43: {  	_ = 	snop  }
0x44: {  	[tilespmem:s8], [sflag:$0x1] =	stream.indirect.gather [hbm4b:s5+s6], $0x1, s6, s6, $0xb8;
	[tilespmem:$0x600] =	vst v63  }
0x45: {  	_ = 	snop  }
0x46: {  	[tilespmem:s10], [sflag:$0x1] =	stream.indirect.gather [hbm4b:s5+s6], $0x1, s9, s6, $0xb8;
	[tilespmem:$0x600] =	vst v63  }
0x47: {  	_ = 	snop  }
0x48: {  	[tilespmem:s12], [sflag:$0x1] =	stream.indirect.gather [hbm4b:s5+s6], $0x1, s11, s6, $0xb8;
	[tilespmem:$0x600] =	vst v63  }
0x49: {  	_ =	swait.ge [sflag:s13], $0x80  }
0x4a: {  	[sflag:s13] =	ssyncset.done $0x0  }
0x4b: {  	[sflag:s13] =	ssyncadd.s32 $0xFFFFFF80  }
0x4c: {  	_ =	swait.ge [sflag:s13], $0x80  }
0x4d: {  	[sflag:s13] =	ssyncset.done $0x0  }
0x4e: {  	[sflag:s13] =	ssyncadd.s32 $0xFFFFFF80  }
0x4f: {  	_ =	swait.ge [sflag:s13], $0x80  }
0x50: {  	[sflag:s13] =	ssyncset.done $0x0  }
0x51: {  	[sflag:s13] =	ssyncadd.s32 $0xFFFFFF80  }
0x52: {  	_ =	swait.ge [sflag:s13], $0x80  }
0x53: {  	[sflag:s13] =	ssyncset.done $0x0  }
0x54: {  	[sflag:s13] =	ssyncadd.s32 $0xFFFFFF80  }
0x55: {  	[tilespmem:s2], [sflag:$0x2] =	stream.linear.gather [hbm4b:s14+s2], $0x200, $0x38;
	[tilespmem:$0x600] =	vst v63  }
0x56: {  	_ =	swait.ge [sflag:s3], $0x200  }
0x57: {  	[sflag:s3] =	ssyncset.done $0x0  }
0x58: {  	[sflag:s3] =	ssyncadd.s32 $0xFFFFFE00  }
0x59: {  	[tilespmem:s16], [sflag:$0x1] =	stream.indirect.gather [hbm4b:s15+s6], $0x1, s2, s6, $0xb8;
	[tilespmem:$0x600] =	vst v63  }
0x5a: {  	_ = 	snop  }
0x5b: {  	[tilespmem:s17], [sflag:$0x1] =	stream.indirect.gather [hbm4b:s15+s6], $0x1, s6, s6, $0xb8;
	[tilespmem:$0x600] =	vst v63  }
0x5c: {  	_ = 	snop  }
0x5d: {  	[tilespmem:s18], [sflag:$0x1] =	stream.indirect.gather [hbm4b:s15+s6], $0x1, s9, s6, $0xb8;
	[tilespmem:$0x600] =	vst v63  }
0x5e: {  	_ = 	snop  }
0x5f: {  	[tilespmem:s19], [sflag:$0x1] =	stream.indirect.gather [hbm4b:s15+s6], $0x1, s11, s6, $0xb8;
	[tilespmem:$0x600] =	vst v63  }
0x60: {  	_ =	swait.ge [sflag:s13], $0x80  }
0x61: {  	[sflag:s13] =	ssyncset.done $0x0  }
0x62: {  	[sflag:s13] =	ssyncadd.s32 $0xFFFFFF80  }
0x63: {  	_ =	swait.ge [sflag:s13], $0x80  }
0x64: {  	[sflag:s13] =	ssyncset.done $0x0  }
0x65: {  	[sflag:s13] =	ssyncadd.s32 $0xFFFFFF80  }
0x66: {  	_ =	swait.ge [sflag:s13], $0x80  }
0x67: {  	[sflag:s13] =	ssyncset.done $0x0  }
0x68: {  	[sflag:s13] =	ssyncadd.s32 $0xFFFFFF80  }
0x69: {  	_ =	swait.ge [sflag:s13], $0x80  }
0x6a: {  	[sflag:s13] =	ssyncset.done $0x0  }
0x6b: {  	[sflag:s13] =	ssyncadd.s32 $0xFFFFFF80  }
0x6c: {  	[hbm4b:s20+s2] =	stream.linear.scatter [tilespmem:s7], [sflag:$0x2], $0x200, $0x38;
	[tilespmem:$0x600] =	vst v63  }
0x6d: {  	_ =	swait.ge [sflag:s3], $0x200  }
.Ltmp1:
0x6e: {  	[sflag:s3] =	ssyncset.done $0x0;
	(pc) =	sbr.rel @p0 .LBB2_1-.Ltmp1, $4  }
0x6f: {  	[sflag:s3] =	ssyncadd.s32 $0xFFFFFE00  }
0x70: {  	[hbm4b:s21+s2] =	stream.linear.scatter [tilespmem:s16], [sflag:$0x2], $0x200, $0x38;
	[tilespmem:$0x600] =	vst v63  }
0x71: {  	_ =	swait.ge [sflag:s3], $0x200  }
0x72: {  	[sflag:s3] =	ssyncset.done $0x0  }
.LBB2_2:
0x73: {  	[sflag:s3] =	ssyncadd.s32 $0xFFFFFE00  }
0x74: {  	_ =	sfence.sel $0x180000  }
0x75: {  	[bflag:$0x0] =	sbarrier.arrive $0xFFFF  }
0x76: {  	p0 =	sne.s32 s1, $0x0;
	_ =	strace $0x90000047  }
0x77: {  	s0 =	sadd.s32 @!p0 $0x100000, s0;
	[bflag:$0x2] =	sbarrier.arrive $0xFFFF  }
0x78: {  	[sflag:s0] =	ssyncadd.tile.s32 @!p0 $0x1;
	_ =	shalt  }
.Lfunc_end2:
_tile_overlayer_lowered:
.L_overlay_start_2:
0x79: {  	(tag) =	ssettag $0x2  }
0x7a: {  	s0 =	rddreg [dreg:$0x0];
	s2 =	stileid.u32  }
0x7b: {  	s1 =	rddreg [dreg:$0x1];
	p0 =	sne.s32 s2, $0x0  }
0x7c: {  	s3 =	rddreg [dreg:$0x2];
	[bflag:$0x3] =	sbarrier.arrive $0xFFFF;
	s2 =	simm.s32 @!p0 $0x1C02  }
0x7d: {  	[timem:s3], [sflag:s2] =	dma.local @!p0 [hbm:s0], s1  }
0x7e: {  	s0 =	simm.s32 @!p0 $0x2  }
0x7f: {  	_ =	swait.ge @!p0 [sflag:s0], s1  }
0x80: {  	s1 =	ssub.s32 @!p0 $0x0, s1;
	[sflag:s0] =	ssyncset.done @!p0 $0x0  }
0x81: {  	[sflag:s0] =	ssyncadd.s32 @!p0 s1  }
0x82: {  	[bflag:$0x3] =	sbarrier.arrive $0xFFFF  }
0x83: {  	_ =	shalt  }

// kernel: kernel.9.cloned.1.call-start
scs
__scs_entry_jumppad:
0x0: {  	(pc) =	sbr.rel $0x88, $3  }
0x1: {  	(tag) =	ssettag $0x0;
	lr =	simm.s32 $0x1  }
0x2: {  	[smem:$0x3F90] =	sst lr;
	_ =	strace $0xD0000000  }
0x3: {  	_ = 	snop  }
0x4: {  	_ = 	snop  }
0x5: {  	_ = 	snop  }
0x6: {  	_ = 	snop  }
0x7: {  	_ = 	snop  }
__scs_overlays_trampoline_lowered:
0x8: {  	[smem:$0x3F9F] =	sst s0  }
0x9: {  	[smem:$0x3FA0] =	sst s1  }
0xa: {  	[smem:$0x3FA1] =	sst s2  }
0xb: {  	[smem:$0x3FA2] =	sst s3  }
0xc: {  	[smem:$0x3FA3] =	sst s4  }
0xd: {  	[smem:$0x3FA4] =	sst s5  }
0xe: {  	[smem:$0x3FA5] =	sst s6  }
0xf: {  	[smem:$0x3FA6] =	sst s7  }
0x10: {  	[smem:$0x3FA7] =	sst s8  }
0x11: {  	[smem:$0x3FA8] =	sst s9;
	s0 =	simm.s32 @!p0 $0x0  }
0x12: {  	s1 =	sld [smem:$0x3F8E];
	s0 =	simm.s32 @p0 $0x1  }
0x13: {  	[smem:$0x3FA9] =	sst s0;
	s0 =	simm.s32 @!p1 $0x0  }
0x14: {  	s2 =	sld [smem:$0x3F8D];
	s0 =	simm.s32 @p1 $0x1  }
0x15: {  	[smem:$0x3FAA] =	sst s0;
	s0 =	simm.s32 @!p2 $0x0  }
0x16: {  	s3 =	sld [smem:$0x3FDB];
	s0 =	simm.s32 @p2 $0x1  }
0x17: {  	s4 =	simm.s32 $0x1BF5;
	[smem:$0x3FAC] =	sst s0  }
0x18: {  	s0 =	sld [smem:$0x3F8F];
	_ =	swait.ge [sflag:s4], $0x0  }
0x19: {  	s7 =	sld [smem:$0x3F90]  }
0x1a: {  	s8 =	sadd.s32 $0xFFFFE003, lr  }
0x1b: {  	s9 =	sadd.s32 $0xFFFFFEF7, lr;
	s5 =	simm.s32 $0xFFFFFFFF;
	p2 =	slt.u32 s8, $0xFFFFF086  }
0x1c: {  	p1 =	slt.u32 s9, $0xF7A;
	s5 =	simm.s32 @!p2 $0x0  }
0x1d: {  	s5 =	simm.s32 @p1 $0x1;
	p0 =	seq.s32 s7, s2  }
0x1e: {  	s7 =	smul.u32 @!p0 $0xF7A, s2;
	p2 =	seq.s32 @!p0 s5, $0x0  }
0x1f: {  	s9 =	smul.u32 $0xF7A, s1;
	s8 =	simm.s32 @!p0 $0x1BF5;
	p2 =	por !p2, p0  }
0x20: {  	[sflag:s8] =	ssyncset.s32 @!p0 $0xFFFFF086;
	s6 =	sadd.s32 @!p0 s3, s7;
	s7 =	simm.s32 @!p0 $0x108  }
0x21: {  	s3 =	sadd.s32 s3, s9;
	s6 =	sadd.s32 @!p0 $0x88, s6;
	s7 =	simm.s32 @p2 $0x1082  }
0x22: {  	[simem:s7], [sflag:s8] =	dma.local @!p0 [hbm:s6], $0xF7A  }
0x23: {  	s9 =	sor.u32 $0xD0000000, s2;
	s6 =	simm.s32 $0x108;
	_ =	swait.ge @!p0 [sflag:s8], $0x0  }
0x24: {  	s3 =	sadd.s32 $0x88, s3;
	s6 =	simm.s32 @!p1 $0x1082;
	[sflag:s4] =	ssyncset.s32 $0xFFFFF086  }
0x25: {  	[simem:s6], [sflag:s4] =	dma.local [hbm:s3], $0xF7A  }
0x26: {  	[smem:$0x3F90] =	sst s1;
	(tag) =	ssettag s2;
	_ =	strace s9  }
0x27: {  	s1 =	sld [smem:$0x3FA0]  }
0x28: {  	s2 =	sld [smem:$0x3FA1]  }
0x29: {  	s4 =	sld [smem:$0x3FA3]  }
0x2a: {  	p0 =	seq.s32 s5, $0x0;
	s5 =	sld [smem:$0x3FA4]  }
0x2b: {  	s6 =	sld [smem:$0x3FA5]  }
0x2c: {  	s7 =	sld [smem:$0x3FA6]  }
0x2d: {  	s3 =	simm.s32 $0x108;
	s8 =	sld [smem:$0x3FA7]  }
0x2e: {  	s3 =	simm.s32 @!p0 $0x1082;
	s9 =	sld [smem:$0x3FA8]  }
0x2f: {  	lr =	sadd.s32 s0, s3;
	s0 =	sld [smem:$0x3F9F]  }
0x30: {  	s3 =	sld [smem:$0x3FA2]  }
0x31: {  	[smem:$0x3FAB] =	sst s10  }
0x32: {  	s10 =	sld [smem:$0x3FA9];
	_ =	sdelay $0x3  }
0x33: {  	p0 =	seq.s32 s10, $0x1;
	s10 =	sld [smem:$0x3FAB];
	_ =	sdelay $0x3  }
0x34: {  	[smem:$0x3FAB] =	sst s10  }
0x35: {  	s10 =	sld [smem:$0x3FAA];
	_ =	sdelay $0x3  }
0x36: {  	p1 =	seq.s32 s10, $0x1;
	s10 =	sld [smem:$0x3FAB];
	_ =	sdelay $0x3  }
0x37: {  	[smem:$0x3FAB] =	sst s10  }
0x38: {  	s10 =	sld [smem:$0x3FAC]  }
0x39: {  	_ = 	snop;
	(pc) =	sbr.ind lr, $3  }
0x3a: {  	_ = 	snop  }
0x3b: {  	_ = 	snop  }
0x3c: {  	p2 =	seq.s32 s10, $0x1;
	s10 =	sld [smem:$0x3FAB]  }
0x3d: {  	_ =	shalt  }
0x3e: {  	_ =	shalt  }
0x3f: {  	_ =	shalt  }
0x40: {  	_ =	shalt  }
0x41: {  	_ =	shalt  }
0x42: {  	_ =	shalt  }
0x43: {  	_ =	shalt  }
0x44: {  	_ =	shalt  }
0x45: {  	_ =	shalt  }
0x46: {  	_ =	shalt  }
0x47: {  	_ =	shalt  }
0x48: {  	_ =	shalt  }
0x49: {  	_ =	shalt  }
0x4a: {  	_ =	shalt  }
0x4b: {  	_ =	shalt  }
0x4c: {  	_ =	shalt  }
0x4d: {  	_ =	shalt  }
0x4e: {  	_ =	shalt  }
0x4f: {  	_ =	shalt  }
0x50: {  	_ =	shalt  }
0x51: {  	_ =	shalt  }
0x52: {  	_ =	shalt  }
0x53: {  	_ =	shalt  }
0x54: {  	_ =	shalt  }
0x55: {  	_ =	shalt  }
0x56: {  	_ =	shalt  }
0x57: {  	_ =	shalt  }
0x58: {  	_ =	shalt  }
0x59: {  	_ =	shalt  }
0x5a: {  	_ =	shalt  }
0x5b: {  	_ =	shalt  }
0x5c: {  	_ =	shalt  }
0x5d: {  	_ =	shalt  }
0x5e: {  	_ =	shalt  }
0x5f: {  	_ =	shalt  }
0x60: {  	_ =	shalt  }
0x61: {  	_ =	shalt  }
0x62: {  	_ =	shalt  }
0x63: {  	_ =	shalt  }
0x64: {  	_ =	shalt  }
0x65: {  	_ =	shalt  }
0x66: {  	_ =	shalt  }
0x67: {  	_ =	shalt  }
0x68: {  	_ =	shalt  }
0x69: {  	_ =	shalt  }
0x6a: {  	_ =	shalt  }
0x6b: {  	_ =	shalt  }
0x6c: {  	_ =	shalt  }
0x6d: {  	_ =	shalt  }
0x6e: {  	_ =	shalt  }
0x6f: {  	_ =	shalt  }
0x70: {  	_ =	shalt  }
0x71: {  	_ =	shalt  }
0x72: {  	_ =	shalt  }
0x73: {  	_ =	shalt  }
0x74: {  	_ =	shalt  }
0x75: {  	_ =	shalt  }
0x76: {  	_ =	shalt  }
0x77: {  	_ =	shalt  }
0x78: {  	_ =	shalt  }
0x79: {  	_ =	shalt  }
0x7a: {  	_ =	shalt  }
0x7b: {  	_ =	shalt  }
0x7c: {  	_ =	shalt  }
0x7d: {  	_ =	shalt  }
0x7e: {  	_ =	shalt  }
0x7f: {  	_ =	shalt  }
0x80: {  	_ =	shalt  }
0x81: {  	_ =	shalt  }
0x82: {  	_ =	shalt  }
0x83: {  	_ =	shalt  }
0x84: {  	_ =	shalt  }
0x85: {  	_ =	shalt  }
0x86: {  	_ =	shalt  }
0x87: {  	_ =	shalt  }
.Lfunc_end0:
.L_simem_size_0:
called_computation.1_lowered:
.L_overlay_start_0:
0x88: {  	s2 =	sld [smem:$0x3FD9]  }
0x89: {  	s3 =	sld [smem:$0x3FFE];
	_ =	sdelay $0x1  }
0x8a: {  	s1 =	srdreg.scid  }
0x8b: {  	s0 =	sand.u32 $0x1, s1  }
0x8c: {  	s17 =	sshll.u32 s0, $0xA;
	s2 =	sadd.s32 s3, s2  }
0x8d: {  	s2 =	sadd.s32 s2, s17  }
0x8e: {  	[smem:$0x3FB7] =	sst s2  }
0x8f: {  	_ = 	snop  }
0x90: {  	s18 =	sld [smem:$0x3FD0];
	(tm) =	ssettm $0x1  }
0x91: {  	s19 =	sld [smem:$0x3FFB];
	_ =	sdelay $0x3  }
0x92: {  	_ =	strace s19  }
0x93: {  	s2 =	sld [smem:$0x3FFC];
	_ =	sdelay $0x3  }
0x94: {  	_ =	strace s2  }
0x95: {  	s2 =	sld [smem:$0x3FFD];
	_ =	sdelay $0x3  }
0x96: {  	_ =	strace s2  }
0x97: {  	_ =	strace $0x8FFFFFFF  }
0x98: {  	s20 =	sld [smem:$0x3FDB];
	_ =	sdelay $0x1  }
0x99: {  	s4 =	simm.s32 $_scs_section_size  }
0x9a: {  	s5 =	simm.s32 $_size__tile_overlayer_lowered;
	s6 =	simm.s32 $_tile_overlayer_lowered  }
0x9b: {  	s7 =	simm.s32 $0x1BFF;
	s21 =	sshll.u32 s6, $0x1;
	s4 =	sadd.s32 s4, s20  }
0x9c: {  	s22 =	simm.s32 $0x0;
	s5 =	sshll.u32 s5, $0x1;
	s6 =	sadd.s32 s21, s4  }
0x9d: {  	[timem:s22], [sflag:s7] =	dma.local [hbm:s6], s5  }
0x9e: {  	_ =	swait.ge [sflag:s7], s5  }
0x9f: {  	s5 =	ssub.s32 $0x0, s5;
	[sflag:s7] =	ssyncset.done $0x0  }
0xa0: {  	[sflag:s7] =	ssyncadd.s32 s5;
	_ =	sdelay $0x1  }
0xa1: {  	s23 =	simm.s32 $0x1B8B  }
0xa2: {  	_ =	swait.ge [sflag:s23], $0x1  }
0xa3: {  	[sflag:s23] =	ssyncset.done $0x0  }
0xa4: {  	[sflag:s23] =	ssyncadd.s32 $0xFFFFFFFF  }
0xa5: {  	s5 =	sld [smem:$0x0]  }
0xa6: {  	s6 =	sand.u32 $0xFFFFFFFE, s1  }
0xa7: {  	p0 =	sne.s32 s1, s6  }
0xa8: {  	s6 =	sshll.u32 @p0 s6, $0xE  }
0xa9: {  	s6 =	sadd.s32 @p0 $0x11B8D, s6;
	s7 =	sshll.u32 @p0 s5, $0x11  }
0xaa: {  	s6 =	sor.u32 @p0 s7, s6  }
0xab: {  	[sflag:s6] =	ssyncadd.remote.s32 @p0 $0x1;
	_ =	sdelay $0x1  }
0xac: {  	s6 =	simm.s32 @p0 $0x1B8D  }
0xad: {  	_ =	swait.eq @p0 [sflag:s6], $0x1  }
0xae: {  	[sflag:s6] =	ssyncadd.s32 @p0 $0xFFFFFFFF  }
0xaf: {  	s7 =	sshll.u32 @!p0 s1, $0xE  }
0xb0: {  	s7 =	sor.u32 @!p0 $0x4000, s7;
	s6 =	simm.s32 @!p0 $0x1B8D  }
0xb1: {  	s5 =	sshll.u32 @!p0 s5, $0x11;
	s7 =	sadd.s32 @!p0 $0x11B8D, s7;
	_ =	swait.eq @!p0 [sflag:s6], $0x1  }
0xb2: {  	s5 =	sor.u32 @!p0 s5, s7;
	[sflag:s6] =	ssyncadd.s32 @!p0 $0xFFFFFFFF  }
0xb3: {  	s25 =	simm.s32 $0x1B8E;
	s24 =	sld [smem:$0x3FFE];
	[sflag:s5] =	ssyncadd.remote.s32 @!p0 $0x1  }
0xb4: {  	s26 =	simm.s32 $execute0_lowered;
	[smem:$0x3FD2] =	sst s25  }
0xb5: {  	s6 =	sshll.u32 s26, $0x1;
	_ =	strace $0x80000049;
	[dreg:$0x1] =	wrdreg $0xFFFFFFFF  }
0xb6: {  	s28 =	simm.s32 $_size_execute0_lowered;
	s4 =	sadd.s32 s4, s6;
	[dreg:$0x0] =	wrdreg $0x0  }
0xb7: {  	s6 =	sshll.u32 s28, $0x1;
	[dreg:$0x2] =	wrdreg s4  }
0xb8: {  	[dreg:$0x3] =	wrdreg s6  }
0xb9: {  	[dreg:$0x4] =	wrdreg $0xC0  }
0xba: {  	_ =	task [dreg:s22], $0x5FFFF  }
0xbb: {  	[dreg:$0x1] =	wrdreg $0xFFFFFFFF  }
0xbc: {  	[dreg:$0x0] =	wrdreg $0x60  }
0xbd: {  	[dreg:$0x2] =	wrdreg s18  }
0xbe: {  	[dreg:$0x3] =	wrdreg s24  }
0xbf: {  	[dreg:$0x4] =	wrdreg $0xA  }
0xc0: {  	_ =	task.clear_ibuf [dreg:s22], $0x5FFFF;
	_ =	strace $0x90000049  }
0xc1: {  	s29 =	simm.s32 $0xA;
	_ =	strace $0x8000004B  }
0xc2: {  	_ =	swait.ge [sflag:s29], $0x1  }
0xc3: {  	[sflag:s29] =	ssyncadd.s32 $0xFFFFFFFF  }
0xc4: {  	_ =	strace $0x9000004B  }
0xc5: {  	_ =	sfence  }
0xc6: {  	s30 =	sld [smem:$0x0];
	_ =	sdelay $0x2  }
0xc7: {  	s31 =	sshll.u32 s1, $0xD;
	s1 =	sshrl.u32 s1, $0x2  }
0xc8: {  	s4 =	sand.u32 $0x4000, s31;
	s1 =	sadd.s32 s1, s30  }
0xc9: {  	s0 =	sor.u32 s4, s0;
	s1 =	sshll.u32 s1, $0x11  }
0xca: {  	s0 =	sor.u32 s1, s0  }
0xcb: {  	s0 =	sadd.s32 $0x8F2B, s0  }
0xcc: {  	[sflag:s0] =	ssyncadd.remote.s32 $0x1  }
0xcd: {  	_ =	sfence.sel $0xFFFF  }
0xce: {  	[dreg:$0x0] =	wrdreg $0xFFFFFFFF;
	(pc) =	sbr.abs _section_cstart, $3  }
0xcf: {  	[dreg:$0x1] =	wrdreg $0xFFFFFFFF  }
0xd0: {  	_ =	task.clear_ibuf [dreg:s22], $0x2FFFF;
	_ =	strace $0x9FFFFFFF  }
0xd1: {  	(tm) =	ssettm $0x7FFFFFFF  }
tec
execute0_lowered:
.L_overlay_start_1:
0x0: {  	(tag) =	ssettag $0x1  }
0x1: {  	s1 =	srdreg.scid  }
0x2: {  	s3 =	rddreg [dreg:$0x0];
	s0 =	stileid.u32;
	s17 =	sand.u32 $0x1, s1  }
0x3: {  	s16 =	rddreg [dreg:$0x1];
	s4 =	sshll.u32 s0, $0xA;
	s5 =	sshll.u32 s17, $0x9  }
0x4: {  	s2 =	simm.s32 $0x0;
	s1 =	rddreg [dreg:$0x2];
	s14 =	sor.u32 s5, s4  }
0x5: {  	[smem:$0x7FF] =	sst s2;
	s15 =	sshrl.u32 s14, $0x3  }
0x6: {  	_ =	strace $0x8000004A;
	s4 =	sadd.s32 s3, s15;
	s3 =	simm.s32 $0x2  }
0x7: {  	[tilespmem:s2], [sflag:$0x2] =	stream.linear.gather [hbm4b:s4+s2], $0x200, $0x38;
	[tilespmem:$0x10200] =	vst v63  }
0x8: {  	_ =	swait.ge [sflag:s3], $0x200  }
0x9: {  	s6 =	simm.s32 $0x80;
	[sflag:s3] =	ssyncset.done $0x0  }
0xa: {  	s7 =	simm.s32 $0x200;
	s5 =	sadd.s32 $0xF82600, s16;
	[sflag:s3] =	ssyncadd.s32 $0xFFFFFE00  }
0xb: {  	[tilespmem:s7], [sflag:$0x1] =	stream.indirect.gather [hbm4b:s5+s6], $0x80, s2, s6, $0xb8;
	[tilespmem:$0x10200] =	vst v63  }
0xc: {  	s8 =	simm.s32 $0x4200  }
0xd: {  	[tilespmem:s8], [sflag:$0x1] =	stream.indirect.gather [hbm4b:s5+s6], $0x80, s6, s6, $0xb8;
	[tilespmem:$0x10200] =	vst v63  }
0xe: {  	s9 =	simm.s32 $0x100;
	s10 =	simm.s32 $0x8200  }
0xf: {  	[tilespmem:s10], [sflag:$0x1] =	stream.indirect.gather [hbm4b:s5+s6], $0x80, s9, s6, $0xb8;
	[tilespmem:$0x10200] =	vst v63  }
0x10: {  	s11 =	simm.s32 $0x180;
	s12 =	simm.s32 $0xC200;
	s13 =	simm.s32 $0x1  }
0x11: {  	[tilespmem:s12], [sflag:$0x1] =	stream.indirect.gather [hbm4b:s5+s6], $0x80, s11, s6, $0xb8;
	[tilespmem:$0x10200] =	vst v63  }
0x12: {  	_ =	swait.ge [sflag:s13], $0x4000  }
0x13: {  	[sflag:s13] =	ssyncset.done $0x0  }
0x14: {  	[sflag:s13] =	ssyncadd.s32 $0xFFFFC000  }
0x15: {  	_ =	swait.ge [sflag:s13], $0x4000  }
0x16: {  	[sflag:s13] =	ssyncset.done $0x0  }
0x17: {  	[sflag:s13] =	ssyncadd.s32 $0xFFFFC000  }
0x18: {  	_ =	swait.ge [sflag:s13], $0x4000  }
0x19: {  	[sflag:s13] =	ssyncset.done $0x0  }
0x1a: {  	[sflag:s13] =	ssyncadd.s32 $0xFFFFC000  }
0x1b: {  	s14 =	sshll.u32 s14, $0x4;
	_ =	swait.ge [sflag:s13], $0x4000  }
0x1c: {  	s18 =	sadd.s32 s14, s16;
	[sflag:s13] =	ssyncset.done $0x0  }
0x1d: {  	s14 =	sadd.s32 $0x40A00, s18;
	[sflag:s13] =	ssyncadd.s32 $0xFFFFC000  }
0x1e: {  	[hbm4b:s14+s2] =	stream.linear.scatter [tilespmem:s7], [sflag:$0x2], $0x10000, $0x38;
	[tilespmem:$0x10200] =	vst v63  }
0x1f: {  	_ =	swait.ge [sflag:s3], $0x10000  }
0x20: {  	s15 =	sadd.s32 s15, s16;
	[sflag:s3] =	ssyncset.done $0x0  }
0x21: {  	s15 =	sadd.s32 $0x40200, s15;
	[sflag:s3] =	ssyncadd.s32 $0xFFFF0000  }
0x22: {  	[tilespmem:s2], [sflag:$0x2] =	stream.linear.gather [hbm4b:s15+s2], $0x200, $0x38;
	[tilespmem:$0x10200] =	vst v63  }
0x23: {  	_ =	swait.ge [sflag:s3], $0x200  }
0x24: {  	[sflag:s3] =	ssyncset.done $0x0  }
0x25: {  	s16 =	sadd.s32 $0x1723800, s16;
	[sflag:s3] =	ssyncadd.s32 $0xFFFFFE00  }
0x26: {  	[tilespmem:s7], [sflag:$0x1] =	stream.indirect.gather [hbm4b:s16+s6], $0x80, s2, s6, $0xb8;
	[tilespmem:$0x10200] =	vst v63  }
0x27: {  	_ = 	snop  }
0x28: {  	[tilespmem:s8], [sflag:$0x1] =	stream.indirect.gather [hbm4b:s16+s6], $0x80, s6, s6, $0xb8;
	[tilespmem:$0x10200] =	vst v63  }
0x29: {  	_ = 	snop  }
0x2a: {  	[tilespmem:s10], [sflag:$0x1] =	stream.indirect.gather [hbm4b:s16+s6], $0x80, s9, s6, $0xb8;
	[tilespmem:$0x10200] =	vst v63  }
0x2b: {  	_ = 	snop  }
0x2c: {  	[tilespmem:s12], [sflag:$0x1] =	stream.indirect.gather [hbm4b:s16+s6], $0x80, s11, s6, $0xb8;
	[tilespmem:$0x10200] =	vst v63  }
0x2d: {  	_ =	swait.ge [sflag:s13], $0x4000  }
0x2e: {  	[sflag:s13] =	ssyncset.done $0x0  }
0x2f: {  	[sflag:s13] =	ssyncadd.s32 $0xFFFFC000  }
0x30: {  	_ =	swait.ge [sflag:s13], $0x4000  }
0x31: {  	[sflag:s13] =	ssyncset.done $0x0  }
0x32: {  	s17 =	ssub.s32 $0x2, s17;
	[sflag:s13] =	ssyncadd.s32 $0xFFFFC000  }
0x33: {  	s19 =	sshrl.u32 s17, $0x1;
	_ =	swait.ge [sflag:s13], $0x4000  }
0x34: {  	s19 =	ssub.s32 s17, s19;
	[sflag:s13] =	ssyncset.done $0x0  }
0x35: {  	s31 =	smax.u32 s19, $0x1;
	[sflag:s13] =	ssyncadd.s32 $0xFFFFC000  }
0x36: {  	p0 =	sne.s32 s31, $0x1;
	_ =	swait.ge [sflag:s13], $0x4000  }
.Ltmp0:
0x37: {  	[sflag:s13] =	ssyncset.done $0x0;
	(pc) =	sbr.rel @!p0 .LBB2_2-.Ltmp0, $4  }
0x38: {  	s17 =	sadd.s32 $0x80A00, s18;
	[sflag:s13] =	ssyncadd.s32 $0xFFFFC000  }
0x39: {  	[hbm4b:s17+s2] =	stream.linear.scatter [tilespmem:s7], [sflag:$0x2], $0x10000, $0x38;
	[tilespmem:$0x10200] =	vst v63  }
0x3a: {  	_ =	swait.ge [sflag:s3], $0x10000  }
0x3b: {  	s18 =	sadd.s32 $0xFFFFFFFF, s31;
	[sflag:s3] =	ssyncset.done $0x0  }
.LBB2_1:
0x3c: {  	p0 =	sne.s32 s18, $0x1;
	s18 =	sadd.s32 $0xFFFFFFFF, s18;
	[sflag:s3] =	ssyncadd.s32 $0xFFFF0000  }
0x3d: {  	[tilespmem:s2], [sflag:$0x2] =	stream.linear.gather [hbm4b:s4+s2], $0x200, $0x38;
	[tilespmem:$0x10200] =	vst v63  }
0x3e: {  	_ =	swait.ge [sflag:s3], $0x200  }
0x3f: {  	[sflag:s3] =	ssyncset.done $0x0  }
0x40: {  	[sflag:s3] =	ssyncadd.s32 $0xFFFFFE00  }
0x41: {  	[tilespmem:s7], [sflag:$0x1] =	stream.indirect.gather [hbm4b:s5+s6], $0x80, s2, s6, $0xb8;
	[tilespmem:$0x10200] =	vst v63  }
0x42: {  	_ = 	snop  }
0x43: {  	[tilespmem:s8], [sflag:$0x1] =	stream.indirect.gather [hbm4b:s5+s6], $0x80, s6, s6, $0xb8;
	[tilespmem:$0x10200] =	vst v63  }
0x44: {  	_ = 	snop  }
0x45: {  	[tilespmem:s10], [sflag:$0x1] =	stream.indirect.gather [hbm4b:s5+s6], $0x80, s9, s6, $0xb8;
	[tilespmem:$0x10200] =	vst v63  }
0x46: {  	_ = 	snop  }
0x47: {  	[tilespmem:s12], [sflag:$0x1] =	stream.indirect.gather [hbm4b:s5+s6], $0x80, s11, s6, $0xb8;
	[tilespmem:$0x10200] =	vst v63  }
0x48: {  	_ =	swait.ge [sflag:s13], $0x4000  }
0x49: {  	[sflag:s13] =	ssyncset.done $0x0  }
0x4a: {  	[sflag:s13] =	ssyncadd.s32 $0xFFFFC000  }
0x4b: {  	_ =	swait.ge [sflag:s13], $0x4000  }
0x4c: {  	[sflag:s13] =	ssyncset.done $0x0  }
0x4d: {  	[sflag:s13] =	ssyncadd.s32 $0xFFFFC000  }
0x4e: {  	_ =	swait.ge [sflag:s13], $0x4000  }
0x4f: {  	[sflag:s13] =	ssyncset.done $0x0  }
0x50: {  	[sflag:s13] =	ssyncadd.s32 $0xFFFFC000  }
0x51: {  	_ =	swait.ge [sflag:s13], $0x4000  }
0x52: {  	[sflag:s13] =	ssyncset.done $0x0  }
0x53: {  	[sflag:s13] =	ssyncadd.s32 $0xFFFFC000  }
0x54: {  	[hbm4b:s14+s2] =	stream.linear.scatter [tilespmem:s7], [sflag:$0x2], $0x10000, $0x38;
	[tilespmem:$0x10200] =	vst v63  }
0x55: {  	_ =	swait.ge [sflag:s3], $0x10000  }
0x56: {  	[sflag:s3] =	ssyncset.done $0x0  }
0x57: {  	[sflag:s3] =	ssyncadd.s32 $0xFFFF0000  }
0x58: {  	[tilespmem:s2], [sflag:$0x2] =	stream.linear.gather [hbm4b:s15+s2], $0x200, $0x38;
	[tilespmem:$0x10200] =	vst v63  }
0x59: {  	_ =	swait.ge [sflag:s3], $0x200  }
0x5a: {  	[sflag:s3] =	ssyncset.done $0x0  }
0x5b: {  	[sflag:s3] =	ssyncadd.s32 $0xFFFFFE00  }
0x5c: {  	[tilespmem:s7], [sflag:$0x1] =	stream.indirect.gather [hbm4b:s16+s6], $0x80, s2, s6, $0xb8;
	[tilespmem:$0x10200] =	vst v63  }
0x5d: {  	_ = 	snop  }
0x5e: {  	[tilespmem:s8], [sflag:$0x1] =	stream.indirect.gather [hbm4b:s16+s6], $0x80, s6, s6, $0xb8;
	[tilespmem:$0x10200] =	vst v63  }
0x5f: {  	_ = 	snop  }
0x60: {  	[tilespmem:s10], [sflag:$0x1] =	stream.indirect.gather [hbm4b:s16+s6], $0x80, s9, s6, $0xb8;
	[tilespmem:$0x10200] =	vst v63  }
0x61: {  	_ = 	snop  }
0x62: {  	[tilespmem:s12], [sflag:$0x1] =	stream.indirect.gather [hbm4b:s16+s6], $0x80, s11, s6, $0xb8;
	[tilespmem:$0x10200] =	vst v63  }
0x63: {  	_ =	swait.ge [sflag:s13], $0x4000  }
0x64: {  	[sflag:s13] =	ssyncset.done $0x0  }
0x65: {  	[sflag:s13] =	ssyncadd.s32 $0xFFFFC000  }
0x66: {  	_ =	swait.ge [sflag:s13], $0x4000  }
0x67: {  	[sflag:s13] =	ssyncset.done $0x0  }
0x68: {  	[sflag:s13] =	ssyncadd.s32 $0xFFFFC000  }
0x69: {  	_ =	swait.ge [sflag:s13], $0x4000  }
0x6a: {  	[sflag:s13] =	ssyncset.done $0x0  }
0x6b: {  	[sflag:s13] =	ssyncadd.s32 $0xFFFFC000  }
0x6c: {  	_ =	swait.ge [sflag:s13], $0x4000  }
.Ltmp1:
0x6d: {  	[sflag:s13] =	ssyncset.done $0x0;
	(pc) =	sbr.rel @p0 .LBB2_1-.Ltmp1, $4  }
0x6e: {  	[sflag:s13] =	ssyncadd.s32 $0xFFFFC000  }
0x6f: {  	[hbm4b:s17+s2] =	stream.linear.scatter [tilespmem:s7], [sflag:$0x2], $0x10000, $0x38;
	[tilespmem:$0x10200] =	vst v63  }
0x70: {  	_ =	swait.ge [sflag:s3], $0x10000  }
0x71: {  	[sflag:s3] =	ssyncset.done $0x0  }
.LBB2_2:
0x72: {  	[sflag:s3] =	ssyncadd.s32 $0xFFFF0000  }
0x73: {  	_ =	sfence.sel $0x180000  }
0x74: {  	[bflag:$0x0] =	sbarrier.arrive $0xFFFF  }
0x75: {  	p0 =	sne.s32 s0, $0x0;
	_ =	strace $0x9000004A  }
0x76: {  	s0 =	sadd.s32 @!p0 $0x100000, s1;
	[bflag:$0x2] =	sbarrier.arrive $0xFFFF  }
0x77: {  	[sflag:s0] =	ssyncadd.tile.s32 @!p0 $0x1;
	_ =	shalt  }
.Lfunc_end2:
_tile_overlayer_lowered:
.L_overlay_start_2:
0x78: {  	(tag) =	ssettag $0x2  }
0x79: {  	s0 =	rddreg [dreg:$0x0];
	s2 =	stileid.u32  }
0x7a: {  	s1 =	rddreg [dreg:$0x1];
	p0 =	sne.s32 s2, $0x0  }
0x7b: {  	s3 =	rddreg [dreg:$0x2];
	[bflag:$0x3] =	sbarrier.arrive $0xFFFF;
	s2 =	simm.s32 @!p0 $0x1C02  }
0x7c: {  	[timem:s3], [sflag:s2] =	dma.local @!p0 [hbm:s0], s1  }
0x7d: {  	s0 =	simm.s32 @!p0 $0x2  }
0x7e: {  	_ =	swait.ge @!p0 [sflag:s0], s1  }
0x7f: {  	s1 =	ssub.s32 @!p0 $0x0, s1;
	[sflag:s0] =	ssyncset.done @!p0 $0x0  }
0x80: {  	[sflag:s0] =	ssyncadd.s32 @!p0 s1  }
0x81: {  	[bflag:$0x3] =	sbarrier.arrive $0xFFFF  }
0x82: {  	_ =	shalt  }

</sc_bundles>
